<compile_context>
chip_gen: v7x
topology: tpu7x:2x2x1
jax: 0.10.2.dev20260603
libtpu: 0.0.44.dev20260713+nightly
codegen_flags: <defaults>
</compile_context>

<pallas_src>
import functools

import jax
import jax.numpy as jnp
import numpy as np
from jax import lax
from jax.experimental import pallas as pl
from jax.experimental.pallas import tpu as pltpu
from jax.experimental.pallas import tpu_sc as plsc

BASE_GSD_ = 10.0
D4_ = 32
MAX_SEQ_ = 24
B_, H_, W_, T_, CG_ = 16, 16, 16, 12, 4
TCG_ = T_ * CG_
NB_ = 2

SC_NC_ = 2
SC_NS_ = 16
SC_ROWS_ = 8


def _np_pos48():
    omega = 1.0 / (10000.0 ** (np.arange(D4_ // 2, dtype=np.float32)
                               / np.float32(D4_ / 2.0)))
    arg = np.arange(MAX_SEQ_, dtype=np.float32)[:, None] * omega[None, :]
    pos = np.concatenate([np.sin(arg), np.cos(arg)], axis=1)[:T_]
    out = np.zeros((T_, CG_, 128), np.float32)
    out[:, :, D4_:2 * D4_] = pos[:, None, :]
    return out.reshape(TCG_, 128)


def _np_mt128():
    angles = np.arange(0, 13, dtype=np.float32) / np.float32(12.0 / (2.0 * np.pi))
    sin_t = np.stack([np.sin(angles)] * (D4_ // 2), axis=-1)
    cos_t = np.stack([np.cos(angles)] * (D4_ // 2), axis=-1)
    mt = np.concatenate([sin_t[:-1], cos_t[:-1]], axis=-1)
    out = np.zeros((T_, 128), np.float32)
    out[:, 2 * D4_:3 * D4_] = mt
    return out


def _np_wom():
    d = D4_ // 4
    om = 1.0 / (10000.0 ** (np.arange(d, dtype=np.float32) / np.float32(d)))
    out = np.zeros((H_, W_, 128), np.float32)
    hh = np.arange(H_, dtype=np.float32)[:, None, None]
    ww = np.arange(W_, dtype=np.float32)[None, :, None]
    out[:, :, 96:104] = ww * om
    out[:, :, 104:112] = ww * om
    out[:, :, 112:120] = hh * om
    out[:, :, 120:128] = hh * om
    return out


def _np_sel(offset):
    out = np.zeros((D4_, 128), np.float32)
    out[np.arange(D4_), offset + np.arange(D4_)] = 1.0
    return out


_POS48 = _np_pos48()
_MT128 = _np_mt128()
_WOM = _np_wom()
_SEL0 = _np_sel(0)


@functools.partial(
    pl.kernel,
    mesh=plsc.VectorSubcoreMesh(core_axis_name="c", subcore_axis_name="s"),
    out_type=jax.ShapeDtypeStruct((B_ * T_, 128), jnp.float32),
    scratch_types=[
        pltpu.VMEM((SC_ROWS_,), jnp.int32),
        pltpu.VMEM((SC_ROWS_, 128), jnp.float32),
        pltpu.SemaphoreType.DMA,
    ],
)
def _month_gather_sc(months_hbm, table_hbm, out_hbm, idx_v, rows_v, sem):
    wid = lax.axis_index("s") * SC_NC_ + lax.axis_index("c")

    @pl.when(wid < (B_ * T_) // SC_ROWS_)
    def _():
        base = wid * SC_ROWS_
        pltpu.sync_copy(months_hbm.at[pl.ds(base, SC_ROWS_)], idx_v)
        pltpu.async_copy(table_hbm.at[idx_v], rows_v, sem).wait()
        pltpu.sync_copy(rows_v, out_hbm.at[pl.ds(base, SC_ROWS_)])


def _encoder_kernel(mb_ref, g_ref, ch_ref, pos48_ref, wom_ref,
                    sel0_ref, s2_ref, out_ref, spat_ref, base_ref):
    i = pl.program_id(0)

    @pl.when(i == 0)
    def _build_tables():
        arg = wom_ref[...] * g_ref[0]
        lane3 = jax.lax.broadcasted_iota(jnp.int32, (H_, W_, 128), 2)
        k = lane3 - 96
        sin_mask = jnp.logical_and(k >= 0, (k // 8) % 2 == 0)
        spat_ref[...] = jnp.where(
            lane3 >= 96,
            jnp.where(sin_mask, jnp.sin(arg), jnp.cos(arg)),
            0.0)
        chp = jnp.dot(ch_ref[...], sel0_ref[...],
                      preferred_element_type=jnp.float32)
        base_ref[...] = (jnp.broadcast_to(chp[None, :, :], (T_, CG_, 128))
                         .reshape(TCG_, 128) + pos48_ref[...])

    mb48 = jnp.broadcast_to(
        mb_ref[...].reshape(NB_, T_, 1, 128),
        (NB_, T_, CG_, 128)).reshape(NB_, TCG_, 128)
    bias = base_ref[...][None, :, :] + mb48

    spat = spat_ref[...]
    for hh in range(H_):
        out_ref[:, hh] = (s2_ref[:, hh] + bias[:, None, :, :]
                          + spat[hh][None, :, None, :])


def kernel(s2, timestamps, channel_embeds, patch_size, input_res):
    b, h, w, t, cg, e = s2.shape
    s2r = s2.reshape(b, h, w, t * cg, e)
    months_flat = timestamps[:, 1, :].reshape(b * t).astype(jnp.int32)
    g = jnp.reshape((input_res * patch_size) / BASE_GSD_, (1,)).astype(jnp.float32)

    mb32 = _month_gather_sc(months_flat, _MT128).reshape(b, t, 128)

    out = pl.pallas_call(
        _encoder_kernel,
        grid=(b // NB_,),
        in_specs=[
            pl.BlockSpec((NB_, t, 128), lambda i: (i, 0, 0)),
            pl.BlockSpec(memory_space=pltpu.SMEM),
            pl.BlockSpec((cg, D4_), lambda i: (0, 0)),
            pl.BlockSpec((TCG_, 128), lambda i: (0, 0)),
            pl.BlockSpec((h, w, 128), lambda i: (0, 0, 0)),
            pl.BlockSpec((D4_, 128), lambda i: (0, 0)),
            pl.BlockSpec((NB_, h, w, t * cg, 128), lambda i: (i, 0, 0, 0, 0)),
        ],
        out_specs=pl.BlockSpec((NB_, h, w, t * cg, 128), lambda i: (i, 0, 0, 0, 0)),
        out_shape=jax.ShapeDtypeStruct((b, h, w, t * cg, 128), jnp.float32),
        scratch_shapes=[
            pltpu.VMEM((h, w, 128), jnp.float32),
            pltpu.VMEM((TCG_, 128), jnp.float32),
        ],
        compiler_params=pltpu.CompilerParams(
            dimension_semantics=("arbitrary",),
            vmem_limit_bytes=100 * 1024 * 1024,
        ),
    )(mb32, g, channel_embeds, _POS48, _WOM, _SEL0, s2r)
    return out.reshape(b, h, w, t, cg, e)

# --- scband reference (transcript-rebuilt; emitter-appended) ---
"""Pipeline reference for scband-encoder-86698209837547 (READ-ONLY COPY).

The authoritative reference and input builder live on the scoring server;
editing this copy changes nothing except your own understanding.
"""

import jax, jax.numpy as jnp
import numpy as np

BASE_GSD = 10.0
EMBED = 128
D4 = EMBED // 4  # embedding_dim_per_embedding_type = int(128 * 0.25) = 32
MAX_SEQ = 24
B, H, W, T, CG = 16, 16, 16, 12, 4


def get_1d_sincos_pos_encoding(pos, encoding_dim):
    # standard transformer sincos encoding, concat(sin, cos)
    omega = jnp.arange(encoding_dim // 2, dtype=jnp.float32) / (encoding_dim / 2.0)
    omega = 1.0 / (10000.0 ** omega)
    out = jnp.einsum('m,d->md', pos.astype(jnp.float32), omega)
    return jnp.concatenate([jnp.sin(out), jnp.cos(out)], axis=1)


def get_month_encoding_table(d_hid):
    # sinusoid table for the 12 months (Presto-style)
    angles = jnp.arange(0, 13, dtype=jnp.float32) / (12.0 / (2.0 * np.pi))
    sin_table = jnp.stack([jnp.sin(angles) for _ in range(d_hid // 2)], axis=-1)
    cos_table = jnp.stack([jnp.cos(angles) for _ in range(d_hid // 2)], axis=-1)
    return jnp.concatenate([sin_table[:-1], cos_table[:-1]], axis=-1)  # (12, d_hid)


def _sincos_from_grid(d, pos):
    omega = jnp.arange(d // 2, dtype=jnp.float32) / (d / 2.0)
    omega = 1.0 / (10000.0 ** omega)
    out = jnp.einsum('m,d->md', pos.reshape(-1), omega)
    return jnp.concatenate([jnp.sin(out), jnp.cos(out)], axis=1)


def get_2d_sincos_pos_encoding_with_resolution(grid_size, res, encoding_dim):
    # ScaleMAE-style resolution-aware 2d sincos encoding
    grid_h = jnp.arange(grid_size, dtype=jnp.float32)
    grid_w = jnp.arange(grid_size, dtype=jnp.float32)
    gw, gh = jnp.meshgrid(grid_w, grid_h, indexing='xy')
    grid = jnp.stack([gw, gh], axis=0)  # (2, h, w)
    grid = jnp.einsum('chw,n->cnhw', grid, res)  # (2, n, h, w)
    emb_h = _sincos_from_grid(encoding_dim // 2, grid[0])
    emb_w = _sincos_from_grid(encoding_dim // 2, grid[1])
    emb = jnp.concatenate([emb_h, emb_w], axis=1)  # (n*h*w, d)
    return emb.reshape(res.shape[0], grid_size * grid_size, encoding_dim)


def setup_inputs(seed: int = 0) -> dict:
    key = jax.random.key(seed)
    k1, k2, k3 = jax.random.split(key, 3)
    s2 = jax.random.normal(k1, (B, H, W, T, CG, EMBED), dtype=jnp.float32)
    timestamps = jax.random.randint(k2, (B, 3, T), 0, 12, dtype=jnp.int64 if jax.config.jax_enable_x64 else jnp.int32)
    channel_embeds = jax.random.normal(k3, (CG, D4), dtype=jnp.float32) * 0.02
    return {'s2': s2, 'timestamps': timestamps, 'channel_embeds': channel_embeds, 'patch_size': 4, 'input_res': 10}


def reference(s2, timestamps, channel_embeds, patch_size=4, input_res=10):
    b, h, w, t, c_g, _ = s2.shape
    # channel embedding: repeat 'c_g d -> b h w t c_g d'
    ch_embed = jnp.broadcast_to(channel_embeds[None, None, None, None, :, :], (b, h, w, t, c_g, D4))
    # temporal position embedding (frozen): repeat 't d -> b h w t c_g d'
    pos_full = get_1d_sincos_pos_encoding(jnp.arange(MAX_SEQ), D4)
    pos_embed = jnp.broadcast_to(pos_full[:t][None, None, None, :, None, :], (b, h, w, t, c_g, D4))
    # month embedding lookup (frozen table gather)
    months = timestamps[:, 1, :]  # (b, t)
    month_table = get_month_encoding_table(D4)
    month_embed = jnp.take(month_table, months, axis=0)  # (b, t, d4)
    month_embed = jnp.broadcast_to(month_embed[:, None, None, :, None, :], (b, h, w, t, c_g, D4))
    # resolution-aware spatial embedding
    gsd_ratio = (input_res * patch_size) / BASE_GSD
    spatial = get_2d_sincos_pos_encoding_with_resolution(h, jnp.ones((b,), dtype=jnp.float32) * gsd_ratio, D4)
    spatial = spatial.reshape(b, h, w, D4)
    spatial = jnp.broadcast_to(spatial[:, :, :, None, None, :], (b, h, w, t, c_g, D4))
    modality_embed = jnp.concatenate([ch_embed, pos_embed, month_embed, spatial], axis=-1)
    return s2 + modality_embed

if __name__ == "__main__":
    import jax
    _d = setup_inputs()
    print(jax.jit(kernel)(*tuple(_d.values())))

</pallas_src>

<mosaic_0001>
#map = affine_map<(d0, d1) -> (0)>
#map1 = affine_map<(d0, d1) -> (0, 0)>
module attributes {stable_mosaic.version = 14 : i64} {
  func.func @_month_gather_sc(%arg0: i32, %arg1: i32, %arg2: memref<192xi32, #tpu.memory_space<hbm>>, %arg3: memref<12x128xf32, #tpu.memory_space<hbm>>, %arg4: memref<192x128xf32, #tpu.memory_space<hbm>>, %arg5: memref<8xi32, #tpu.memory_space<vmem>>, %arg6: memref<8x128xf32, #tpu.memory_space<vmem>>, %arg7: memref<!tpu.dma_semaphore, #tpu.memory_space<semaphore_mem>>) attributes {dimension_semantics = [#tpu.dimension_semantics<core_parallel>, #tpu.dimension_semantics<subcore_parallel>], iteration_bounds = array<i64: 2, 16>, scalar_prefetch = 0 : i64, scratch_operands = 3 : i64, tpu.core_type = #tpu.core_type<sc_vector_subcore>, window_params = [{transform_indices = #map}, {transform_indices = #map1}, {transform_indices = #map1}]} {
    %mul3A = arith.constant 2 : i32
    %mul3A_0 = arith.muli %arg1, %mul3A : i32
    %add3A = arith.addi %mul3A_0, %arg0 : i32
    %lt3A = arith.constant 24 : i32
    %lt3A_1 = arith.cmpi slt, %add3A, %lt3A : i32
    %convert_element_type3A = arith.extui %lt3A_1 : i1 to i32
    %cond3A = arith.constant 0 : i32
    %cond3A_2 = arith.cmpi ne, %convert_element_type3A, %cond3A : i32
    scf.if %cond3A_2 {
      %mul3A_3 = arith.constant 8 : i32
      %mul3A_4 = arith.muli %add3A, %mul3A_3 : i32
      "tpu.region"() ({
        %run_scoped3A = tpu.sem_alloc : memref<!tpu.dma_semaphore, #tpu.memory_space<semaphore_mem>>
        %dma_start3A_9 = tpu.memref_slice %arg2[%mul3A_4] : memref<192xi32, #tpu.memory_space<hbm>> -> memref<8xi32, #tpu.memory_space<hbm>>
        %dma_start3A_10 = tpu.memref_slice %arg2[%mul3A_4] : memref<192xi32, #tpu.memory_space<hbm>> -> memref<8xi32, #tpu.memory_space<hbm>>
        tpu.enqueue_dma source(%dma_start3A_10 : memref<8xi32, #tpu.memory_space<hbm>>) target(%arg5 : memref<8xi32, #tpu.memory_space<vmem>>) target_semaphore(%run_scoped3A : memref<!tpu.dma_semaphore, #tpu.memory_space<semaphore_mem>>)
        %dma_wait3A_11 = tpu.memref_slice %arg2[%mul3A_4] : memref<192xi32, #tpu.memory_space<hbm>> -> memref<8xi32, #tpu.memory_space<hbm>>
        %dma_wait3A_12 = tpu.memref_slice %arg2[%mul3A_4] : memref<192xi32, #tpu.memory_space<hbm>> -> memref<8xi32, #tpu.memory_space<hbm>>
        tpu.wait_dma2 semaphore(%run_scoped3A : memref<!tpu.dma_semaphore, #tpu.memory_space<semaphore_mem>>) src(%dma_wait3A_12 : memref<8xi32, #tpu.memory_space<hbm>>) dst(%arg5 : memref<8xi32, #tpu.memory_space<vmem>>)
        tpu.yield
      }) : () -> ()
      %dma_start3A = arith.constant 0 : i32
      %dma_start3A_5 = arith.constant 0 : i32
      %dma_start3A_6 = tpu.memref_slice %arg3[%dma_start3A, %dma_start3A_5] : memref<12x128xf32, #tpu.memory_space<hbm>> -> memref<12x128xf32, #tpu.memory_space<hbm>>
      tpu.enqueue_indirect_dma source(%dma_start3A_6 : memref<12x128xf32, #tpu.memory_space<hbm>>) target(%arg6 : memref<8x128xf32, #tpu.memory_space<vmem>>) offsets(%arg5 : memref<8xi32, #tpu.memory_space<vmem>>) semaphore(%arg7 : memref<!tpu.dma_semaphore, #tpu.memory_space<semaphore_mem>>)
      %dma_wait3A = arith.constant 0 : i32
      %dma_wait3A_7 = arith.constant 0 : i32
      %dma_wait3A_8 = tpu.memref_slice %arg3[%dma_wait3A, %dma_wait3A_7] : memref<12x128xf32, #tpu.memory_space<hbm>> -> memref<12x128xf32, #tpu.memory_space<hbm>>
      tpu.wait_indirect_dma semaphore(%arg7 : memref<!tpu.dma_semaphore, #tpu.memory_space<semaphore_mem>>) src(%dma_wait3A_8 : memref<12x128xf32, #tpu.memory_space<hbm>>) dst(%arg6 : memref<8x128xf32, #tpu.memory_space<vmem>>)
      "tpu.region"() ({
        %run_scoped3A = tpu.sem_alloc : memref<!tpu.dma_semaphore, #tpu.memory_space<semaphore_mem>>
        %dma_start3A_9 = arith.constant 0 : i32
        %dma_start3A_10 = tpu.memref_slice %arg4[%mul3A_4, %dma_start3A_9] : memref<192x128xf32, #tpu.memory_space<hbm>> -> memref<8x128xf32, #tpu.memory_space<hbm>>
        %dma_start3A_11 = arith.constant 0 : i32
        %dma_start3A_12 = tpu.memref_slice %arg4[%mul3A_4, %dma_start3A_11] : memref<192x128xf32, #tpu.memory_space<hbm>> -> memref<8x128xf32, #tpu.memory_space<hbm>>
        tpu.enqueue_dma source(%arg6 : memref<8x128xf32, #tpu.memory_space<vmem>>) target(%dma_start3A_12 : memref<8x128xf32, #tpu.memory_space<hbm>>) target_semaphore(%run_scoped3A : memref<!tpu.dma_semaphore, #tpu.memory_space<semaphore_mem>>)
        %dma_wait3A_13 = arith.constant 0 : i32
        %dma_wait3A_14 = tpu.memref_slice %arg4[%mul3A_4, %dma_wait3A_13] : memref<192x128xf32, #tpu.memory_space<hbm>> -> memref<8x128xf32, #tpu.memory_space<hbm>>
        %dma_wait3A_15 = arith.constant 0 : i32
        %dma_wait3A_16 = tpu.memref_slice %arg4[%mul3A_4, %dma_wait3A_15] : memref<192x128xf32, #tpu.memory_space<hbm>> -> memref<8x128xf32, #tpu.memory_space<hbm>>
        tpu.wait_dma2 semaphore(%run_scoped3A : memref<!tpu.dma_semaphore, #tpu.memory_space<semaphore_mem>>) src(%arg6 : memref<8x128xf32, #tpu.memory_space<vmem>>) dst(%dma_wait3A_16 : memref<8x128xf32, #tpu.memory_space<hbm>>)
        tpu.yield
      }) : () -> ()
    } else {
    }
    return
  }
}

module attributes {stable_mosaic.version = 14 : i64} {
  func.func @_encoder_kernel(%arg0: i32, %arg1: memref<2x12x128xf32, #tpu.memory_space<vmem>>, %arg2: memref<1xf32, #tpu.memory_space<smem>>, %arg3: memref<4x32xf32, #tpu.memory_space<vmem>>, %arg4: memref<48x128xf32, #tpu.memory_space<vmem>>, %arg5: memref<16x16x128xf32, #tpu.memory_space<vmem>>, %arg6: memref<32x128xf32, #tpu.memory_space<vmem>>, %arg7: memref<2x16x16x48x128xf32, #tpu.memory_space<vmem>>, %arg8: memref<2x16x16x48x128xf32, #tpu.memory_space<vmem>>, %arg9: memref<16x16x128xf32, #tpu.memory_space<vmem>>, %arg10: memref<48x128xf32, #tpu.memory_space<vmem>>) attributes {dimension_semantics = [#tpu.dimension_semantics<arbitrary>], iteration_bounds = array<i64: 8>, scalar_prefetch = 0 : i64, scratch_operands = 2 : i64, tpu.core_type = #tpu.core_type<tc>, window_params = [{transform_indices = @transform_0, window_bounds = array<i64: 2, 12, 128>}, {transform_indices = @transform_1, window_bounds = array<i64: 1>}, {pipeline_mode = #tpu.pipeline_mode<synchronous>, transform_indices = @transform_2, window_bounds = array<i64: 4, 32>}, {pipeline_mode = #tpu.pipeline_mode<synchronous>, transform_indices = @transform_3, window_bounds = array<i64: 48, 128>}, {pipeline_mode = #tpu.pipeline_mode<synchronous>, transform_indices = @transform_4, window_bounds = array<i64: 16, 16, 128>}, {pipeline_mode = #tpu.pipeline_mode<synchronous>, transform_indices = @transform_5, window_bounds = array<i64: 32, 128>}, {transform_indices = @transform_6, window_bounds = array<i64: 2, 16, 16, 48, 128>}, {transform_indices = @transform_7, window_bounds = array<i64: 2, 16, 16, 48, 128>}]} {
    %eq3A = arith.constant 0 : i32
    %eq3A_0 = arith.cmpi eq, %arg0, %eq3A : i32
    %convert_element_type3A = arith.extui %eq3A_0 : i1 to i32
    %cond3A = arith.constant 0 : i32
    %cond3A_1 = arith.cmpi ne, %convert_element_type3A, %cond3A : i32
    scf.if %cond3A_1 {
      %get3A_381 = arith.constant 0 : index
      %get3A_382 = arith.constant 0 : index
      %get3A_383 = arith.constant 0 : index
      %get3A_384 = vector.load %arg5[%get3A_381, %get3A_382, %get3A_383] : memref<16x16x128xf32, #tpu.memory_space<vmem>>, vector<16x16x128xf32>
      %get3A_385 = arith.constant 0 : index
      %get3A_386 = memref.load %arg2[%get3A_385] : memref<1xf32, #tpu.memory_space<smem>>
      %mul3A = vector.broadcast %get3A_386 : f32 to vector<16x16x128xf32>
      %mul3A_387 = arith.mulf %get3A_384, %mul3A : vector<16x16x128xf32>
      %iota3A = tpu.iota {dimensions = array<i32: 2>} : vector<16x16x128xi32>
      %sub3A = arith.constant 96 : i32
      %sub3A_388 = vector.broadcast %sub3A : i32 to vector<16x16x128xi32>
      %sub3A_389 = arith.subi %iota3A, %sub3A_388 : vector<16x16x128xi32>
      %ge3A = arith.constant 0 : i32
      %ge3A_390 = vector.broadcast %ge3A : i32 to vector<16x16x128xi32>
      %ge3A_391 = arith.cmpi sge, %sub3A_389, %ge3A_390 : vector<16x16x128xi32>
      %jit3A = arith.constant 8 : i32
      %div3A = vector.broadcast %jit3A : i32 to vector<16x16x128xi32>
      %div3A_392 = arith.divsi %sub3A_389, %div3A : vector<16x16x128xi32>
      %sign3A = arith.constant 0 : i32
      %sign3A_393 = vector.broadcast %sign3A : i32 to vector<16x16x128xi32>
      %sign3A_394 = arith.cmpi sgt, %sub3A_389, %sign3A_393 : vector<16x16x128xi32>
      %sign3A_395 = arith.extui %sign3A_394 : vector<16x16x128xi1> to vector<16x16x128xi32>
      %sign3A_396 = arith.constant 0 : i32
      %sign3A_397 = vector.broadcast %sign3A_396 : i32 to vector<16x16x128xi32>
      %sign3A_398 = arith.cmpi slt, %sub3A_389, %sign3A_397 : vector<16x16x128xi32>
      %sign3A_399 = arith.extui %sign3A_398 : vector<16x16x128xi1> to vector<16x16x128xi32>
      %sign3A_400 = arith.subi %sign3A_395, %sign3A_399 : vector<16x16x128xi32>
      %sign3A_401 = arith.constant 0 : i32
      %sign3A_402 = arith.cmpi sgt, %jit3A, %sign3A_401 : i32
      %sign3A_403 = arith.extui %sign3A_402 : i1 to i32
      %sign3A_404 = arith.constant 0 : i32
      %sign3A_405 = arith.cmpi slt, %jit3A, %sign3A_404 : i32
      %sign3A_406 = arith.extui %sign3A_405 : i1 to i32
      %sign3A_407 = arith.subi %sign3A_403, %sign3A_406 : i32
      %ne3A = vector.broadcast %sign3A_407 : i32 to vector<16x16x128xi32>
      %ne3A_408 = arith.cmpi ne, %sign3A_400, %ne3A : vector<16x16x128xi32>
      %rem3A = vector.broadcast %jit3A : i32 to vector<16x16x128xi32>
      %rem3A_409 = arith.remsi %sub3A_389, %rem3A : vector<16x16x128xi32>
      %ne3A_410 = arith.constant 0 : i32
      %ne3A_411 = vector.broadcast %ne3A_410 : i32 to vector<16x16x128xi32>
      %ne3A_412 = arith.cmpi ne, %rem3A_409, %ne3A_411 : vector<16x16x128xi32>
      %and3A = arith.andi %ne3A_408, %ne3A_412 : vector<16x16x128xi1>
      %sub3A_413 = arith.constant 1 : i32
      %sub3A_414 = vector.broadcast %sub3A_413 : i32 to vector<16x16x128xi32>
      %sub3A_415 = arith.subi %div3A_392, %sub3A_414 : vector<16x16x128xi32>
      %select_n3A = arith.select %and3A, %sub3A_415, %div3A_392 : vector<16x16x128xi1>, vector<16x16x128xi32>
      %jit3A_416 = arith.constant 2 : i32
      %eq3A_417 = arith.constant 0 : i32
      %eq3A_418 = arith.cmpi eq, %jit3A_416, %eq3A_417 : i32
      %jit3A_419 = arith.constant 1 : i32
      %select_n3A_420 = arith.select %eq3A_418, %jit3A_419, %jit3A_416 : i32
      %rem3A_421 = vector.broadcast %select_n3A_420 : i32 to vector<16x16x128xi32>
      %rem3A_422 = arith.remsi %select_n3A, %rem3A_421 : vector<16x16x128xi32>
      %ne3A_423 = arith.constant 0 : i32
      %ne3A_424 = vector.broadcast %ne3A_423 : i32 to vector<16x16x128xi32>
      %ne3A_425 = arith.cmpi ne, %rem3A_422, %ne3A_424 : vector<16x16x128xi32>
      %lt3A = arith.constant 0 : i32
      %lt3A_426 = vector.broadcast %lt3A : i32 to vector<16x16x128xi32>
      %lt3A_427 = arith.cmpi slt, %rem3A_422, %lt3A_426 : vector<16x16x128xi32>
      %lt3A_428 = arith.constant 0 : i32
      %lt3A_429 = arith.cmpi slt, %select_n3A_420, %lt3A_428 : i32
      %ne3A_430 = vector.broadcast %lt3A_429 : i1 to vector<16x16x128xi1>
      %ne3A_431 = vector.broadcast %ne3A_430 : vector<16x16x128xi1> to vector<16x16x128xi1>
      %ne3A_432 = arith.xori %lt3A_427, %ne3A_431 : vector<16x16x128xi1>
      %and3A_433 = arith.andi %ne3A_432, %ne3A_425 : vector<16x16x128xi1>
      %add3A_434 = vector.broadcast %select_n3A_420 : i32 to vector<16x16x128xi32>
      %add3A_435 = arith.addi %rem3A_422, %add3A_434 : vector<16x16x128xi32>
      %select_n3A_436 = arith.select %and3A_433, %add3A_435, %rem3A_422 : vector<16x16x128xi1>, vector<16x16x128xi32>
      %eq3A_437 = arith.constant 0 : i32
      %eq3A_438 = vector.broadcast %eq3A_437 : i32 to vector<16x16x128xi32>
      %eq3A_439 = arith.cmpi eq, %select_n3A_436, %eq3A_438 : vector<16x16x128xi32>
      %and3A_440 = arith.andi %ge3A_391, %eq3A_439 : vector<16x16x128xi1>
      %ge3A_441 = arith.constant 96 : i32
      %ge3A_442 = vector.broadcast %ge3A_441 : i32 to vector<16x16x128xi32>
      %ge3A_443 = arith.cmpi sge, %iota3A, %ge3A_442 : vector<16x16x128xi32>
      %sin3A = math.sin %mul3A_387 : vector<16x16x128xf32>
      %cos3A = math.cos %mul3A_387 : vector<16x16x128xf32>
      %select_n3A_444 = arith.select %and3A_440, %sin3A, %cos3A : vector<16x16x128xi1>, vector<16x16x128xf32>
      %jit3A_445 = arith.constant 0.000000e+00 : f32
      %broadcast_in_dim3A_446 = vector.broadcast %jit3A_445 : f32 to vector<16x16x128xf32>
      %select_n3A_447 = arith.select %ge3A_443, %select_n3A_444, %broadcast_in_dim3A_446 : vector<16x16x128xi1>, vector<16x16x128xf32>
      %swap3A_448 = arith.constant 0 : index
      %swap3A_449 = arith.constant 0 : index
      %swap3A_450 = arith.constant 0 : index
      %swap3A_451 = vector.load %arg9[%swap3A_448, %swap3A_449, %swap3A_450] : memref<16x16x128xf32, #tpu.memory_space<vmem>>, vector<16x16x128xf32>
      tpu.vector_store %arg9[%swap3A_448, %swap3A_449, %swap3A_450], %select_n3A_447 {strides = array<i32>} : memref<16x16x128xf32, #tpu.memory_space<vmem>>, vector<16x16x128xf32>,
      %get3A_452 = arith.constant 0 : index
      %get3A_453 = arith.constant 0 : index
      %get3A_454 = vector.load %arg3[%get3A_452, %get3A_453] : memref<4x32xf32, #tpu.memory_space<vmem>>, vector<4x32xf32>
      %get3A_455 = arith.constant 0 : index
      %get3A_456 = arith.constant 0 : index
      %get3A_457 = vector.load %arg6[%get3A_455, %get3A_456] : memref<32x128xf32, #tpu.memory_space<vmem>>, vector<32x128xf32>
      %dot_general3A = arith.constant dense<0.000000e+00> : vector<4x128xf32>
      %dot_general3A_458 = tpu.matmul %get3A_454, %get3A_457, %dot_general3A {dimension_numbers = #tpu.dot_dimension_numbers<[1], [0], [0], [1], [0, 0, 1, 1], [], []>, transpose_lhs_hint = false} : vector<4x32xf32>, vector<32x128xf32>, vector<4x128xf32> -> vector<4x128xf32>
      %broadcast_in_dim3A_459 = vector.shape_cast %dot_general3A_458 : vector<4x128xf32> to vector<1x4x128xf32>
      %broadcast_in_dim3A_460 = vector.shape_cast %broadcast_in_dim3A_459 : vector<1x4x128xf32> to vector<1x4x128xf32>
      %broadcast_in_dim3A_461 = vector.broadcast %broadcast_in_dim3A_460 : vector<1x4x128xf32> to vector<12x4x128xf32>
      %reshape3A_462 = vector.shape_cast %broadcast_in_dim3A_461 : vector<12x4x128xf32> to vector<48x128xf32>
      %get3A_463 = arith.constant 0 : index
      %get3A_464 = arith.constant 0 : index
      %get3A_465 = vector.load %arg4[%get3A_463, %get3A_464] : memref<48x128xf32, #tpu.memory_space<vmem>>, vector<48x128xf32>
      %add3A_466 = arith.addf %reshape3A_462, %get3A_465 : vector<48x128xf32>
      %swap3A_467 = arith.constant 0 : index
      %swap3A_468 = arith.constant 0 : index
      %swap3A_469 = vector.load %arg10[%swap3A_467, %swap3A_468] : memref<48x128xf32, #tpu.memory_space<vmem>>, vector<48x128xf32>
      tpu.vector_store %arg10[%swap3A_467, %swap3A_468], %add3A_466 {strides = array<i32>} : memref<48x128xf32, #tpu.memory_space<vmem>>, vector<48x128xf32>,
    } else {
    }
    %get3A = arith.constant 0 : index
    %get3A_2 = arith.constant 0 : index
    %get3A_3 = arith.constant 0 : index
    %get3A_4 = vector.load %arg1[%get3A, %get3A_2, %get3A_3] : memref<2x12x128xf32, #tpu.memory_space<vmem>>, vector<2x12x128xf32>
    %reshape3A = vector.shape_cast %get3A_4 : vector<2x12x128xf32> to vector<2x12x1x128xf32>
    %broadcast_in_dim3A = vector.shape_cast %reshape3A : vector<2x12x1x128xf32> to vector<2x12x1x128xf32>
    %broadcast_in_dim3A_5 = vector.broadcast %broadcast_in_dim3A : vector<2x12x1x128xf32> to vector<2x12x4x128xf32>
    %reshape3A_6 = vector.shape_cast %broadcast_in_dim3A_5 : vector<2x12x4x128xf32> to vector<2x48x128xf32>
    %get3A_7 = arith.constant 0 : index
    %get3A_8 = arith.constant 0 : index
    %get3A_9 = vector.load %arg10[%get3A_7, %get3A_8] : memref<48x128xf32, #tpu.memory_space<vmem>>, vector<48x128xf32>
    %broadcast_in_dim3A_10 = vector.shape_cast %get3A_9 : vector<48x128xf32> to vector<1x48x128xf32>
    %add3A = vector.broadcast %broadcast_in_dim3A_10 : vector<1x48x128xf32> to vector<2x48x128xf32>
    %add3A_11 = arith.addf %add3A, %reshape3A_6 : vector<2x48x128xf32>
    %get3A_12 = arith.constant 0 : index
    %get3A_13 = arith.constant 0 : index
    %get3A_14 = arith.constant 0 : index
    %get3A_15 = vector.load %arg9[%get3A_12, %get3A_13, %get3A_14] : memref<16x16x128xf32, #tpu.memory_space<vmem>>, vector<16x16x128xf32>
    %get3A_16 = arith.constant 0 : index
    %get3A_17 = arith.constant 0 : index
    %get3A_18 = arith.constant 0 : index
    %get3A_19 = arith.constant 0 : index
    %get3A_20 = arith.constant 0 : index
    %get3A_21 = vector.load %arg7[%get3A_16, %get3A_17, %get3A_18, %get3A_19, %get3A_20] : memref<2x16x16x48x128xf32, #tpu.memory_space<vmem>>, vector<2x1x16x48x128xf32>
    %get3A_22 = vector.shape_cast %get3A_21 : vector<2x1x16x48x128xf32> to vector<2x16x48x128xf32>
    %broadcast_in_dim3A_23 = vector.shape_cast %add3A_11 : vector<2x48x128xf32> to vector<2x1x48x128xf32>
    %add3A_24 = vector.broadcast %broadcast_in_dim3A_23 : vector<2x1x48x128xf32> to vector<2x16x48x128xf32>
    %add3A_25 = arith.addf %get3A_22, %add3A_24 : vector<2x16x48x128xf32>
    %slice3A = vector.extract_strided_slice %get3A_15 {offsets = [0, 0, 0], sizes = [1, 16, 128], strides = [1, 1, 1]} : vector<16x16x128xf32> to vector<1x16x128xf32>
    %squeeze3A = vector.shape_cast %slice3A : vector<1x16x128xf32> to vector<16x128xf32>
    %broadcast_in_dim3A_26 = vector.shape_cast %squeeze3A : vector<16x128xf32> to vector<1x16x1x128xf32>
    %add3A_27 = vector.broadcast %broadcast_in_dim3A_26 : vector<1x16x1x128xf32> to vector<2x16x48x128xf32>
    %add3A_28 = arith.addf %add3A_25, %add3A_27 : vector<2x16x48x128xf32>
    %swap3A = arith.constant 0 : index
    %swap3A_29 = arith.constant 0 : index
    %swap3A_30 = arith.constant 0 : index
    %swap3A_31 = arith.constant 0 : index
    %swap3A_32 = arith.constant 0 : index
    %swap3A_33 = vector.load %arg8[%swap3A, %swap3A_29, %swap3A_30, %swap3A_31, %swap3A_32] : memref<2x16x16x48x128xf32, #tpu.memory_space<vmem>>, vector<2x1x16x48x128xf32>
    %swap3A_34 = vector.shape_cast %swap3A_33 : vector<2x1x16x48x128xf32> to vector<2x16x48x128xf32>
    %swap3A_35 = vector.shape_cast %add3A_28 : vector<2x16x48x128xf32> to vector<2x1x16x48x128xf32>
    tpu.vector_store %arg8[%swap3A, %swap3A_29, %swap3A_30, %swap3A_31, %swap3A_32], %swap3A_35 {strides = array<i32>} : memref<2x16x16x48x128xf32, #tpu.memory_space<vmem>>, vector<2x1x16x48x128xf32>,
    %get3A_36 = arith.constant 0 : index
    %get3A_37 = arith.constant 1 : index
    %get3A_38 = arith.constant 0 : index
    %get3A_39 = arith.constant 0 : index
    %get3A_40 = arith.constant 0 : index
    %get3A_41 = vector.load %arg7[%get3A_36, %get3A_37, %get3A_38, %get3A_39, %get3A_40] : memref<2x16x16x48x128xf32, #tpu.memory_space<vmem>>, vector<2x1x16x48x128xf32>
    %get3A_42 = vector.shape_cast %get3A_41 : vector<2x1x16x48x128xf32> to vector<2x16x48x128xf32>
    %broadcast_in_dim3A_43 = vector.shape_cast %add3A_11 : vector<2x48x128xf32> to vector<2x1x48x128xf32>
    %add3A_44 = vector.broadcast %broadcast_in_dim3A_43 : vector<2x1x48x128xf32> to vector<2x16x48x128xf32>
    %add3A_45 = arith.addf %get3A_42, %add3A_44 : vector<2x16x48x128xf32>
    %slice3A_46 = vector.extract_strided_slice %get3A_15 {offsets = [1, 0, 0], sizes = [1, 16, 128], strides = [1, 1, 1]} : vector<16x16x128xf32> to vector<1x16x128xf32>
    %squeeze3A_47 = vector.shape_cast %slice3A_46 : vector<1x16x128xf32> to vector<16x128xf32>
    %broadcast_in_dim3A_48 = vector.shape_cast %squeeze3A_47 : vector<16x128xf32> to vector<1x16x1x128xf32>
    %add3A_49 = vector.broadcast %broadcast_in_dim3A_48 : vector<1x16x1x128xf32> to vector<2x16x48x128xf32>
    %add3A_50 = arith.addf %add3A_45, %add3A_49 : vector<2x16x48x128xf32>
    %swap3A_51 = arith.constant 0 : index
    %swap3A_52 = arith.constant 1 : index
    %swap3A_53 = arith.constant 0 : index
    %swap3A_54 = arith.constant 0 : index
    %swap3A_55 = arith.constant 0 : index
    %swap3A_56 = vector.load %arg8[%swap3A_51, %swap3A_52, %swap3A_53, %swap3A_54, %swap3A_55] : memref<2x16x16x48x128xf32, #tpu.memory_space<vmem>>, vector<2x1x16x48x128xf32>
    %swap3A_57 = vector.shape_cast %swap3A_56 : vector<2x1x16x48x128xf32> to vector<2x16x48x128xf32>
    %swap3A_58 = vector.shape_cast %add3A_50 : vector<2x16x48x128xf32> to vector<2x1x16x48x128xf32>
    tpu.vector_store %arg8[%swap3A_51, %swap3A_52, %swap3A_53, %swap3A_54, %swap3A_55], %swap3A_58 {strides = array<i32>} : memref<2x16x16x48x128xf32, #tpu.memory_space<vmem>>, vector<2x1x16x48x128xf32>,
    %get3A_59 = arith.constant 0 : index
    %get3A_60 = arith.constant 2 : index
    %get3A_61 = arith.constant 0 : index
    %get3A_62 = arith.constant 0 : index
    %get3A_63 = arith.constant 0 : index
    %get3A_64 = vector.load %arg7[%get3A_59, %get3A_60, %get3A_61, %get3A_62, %get3A_63] : memref<2x16x16x48x128xf32, #tpu.memory_space<vmem>>, vector<2x1x16x48x128xf32>
    %get3A_65 = vector.shape_cast %get3A_64 : vector<2x1x16x48x128xf32> to vector<2x16x48x128xf32>
    %broadcast_in_dim3A_66 = vector.shape_cast %add3A_11 : vector<2x48x128xf32> to vector<2x1x48x128xf32>
    %add3A_67 = vector.broadcast %broadcast_in_dim3A_66 : vector<2x1x48x128xf32> to vector<2x16x48x128xf32>
    %add3A_68 = arith.addf %get3A_65, %add3A_67 : vector<2x16x48x128xf32>
    %slice3A_69 = vector.extract_strided_slice %get3A_15 {offsets = [2, 0, 0], sizes = [1, 16, 128], strides = [1, 1, 1]} : vector<16x16x128xf32> to vector<1x16x128xf32>
    %squeeze3A_70 = vector.shape_cast %slice3A_69 : vector<1x16x128xf32> to vector<16x128xf32>
    %broadcast_in_dim3A_71 = vector.shape_cast %squeeze3A_70 : vector<16x128xf32> to vector<1x16x1x128xf32>
    %add3A_72 = vector.broadcast %broadcast_in_dim3A_71 : vector<1x16x1x128xf32> to vector<2x16x48x128xf32>
    %add3A_73 = arith.addf %add3A_68, %add3A_72 : vector<2x16x48x128xf32>
    %swap3A_74 = arith.constant 0 : index
    %swap3A_75 = arith.constant 2 : index
    %swap3A_76 = arith.constant 0 : index
    %swap3A_77 = arith.constant 0 : index
    %swap3A_78 = arith.constant 0 : index
    %swap3A_79 = vector.load %arg8[%swap3A_74, %swap3A_75, %swap3A_76, %swap3A_77, %swap3A_78] : memref<2x16x16x48x128xf32, #tpu.memory_space<vmem>>, vector<2x1x16x48x128xf32>
    %swap3A_80 = vector.shape_cast %swap3A_79 : vector<2x1x16x48x128xf32> to vector<2x16x48x128xf32>
    %swap3A_81 = vector.shape_cast %add3A_73 : vector<2x16x48x128xf32> to vector<2x1x16x48x128xf32>
    tpu.vector_store %arg8[%swap3A_74, %swap3A_75, %swap3A_76, %swap3A_77, %swap3A_78], %swap3A_81 {strides = array<i32>} : memref<2x16x16x48x128xf32, #tpu.memory_space<vmem>>, vector<2x1x16x48x128xf32>,
    %get3A_82 = arith.constant 0 : index
    %get3A_83 = arith.constant 3 : index
    %get3A_84 = arith.constant 0 : index
    %get3A_85 = arith.constant 0 : index
    %get3A_86 = arith.constant 0 : index
    %get3A_87 = vector.load %arg7[%get3A_82, %get3A_83, %get3A_84, %get3A_85, %get3A_86] : memref<2x16x16x48x128xf32, #tpu.memory_space<vmem>>, vector<2x1x16x48x128xf32>
    %get3A_88 = vector.shape_cast %get3A_87 : vector<2x1x16x48x128xf32> to vector<2x16x48x128xf32>
    %broadcast_in_dim3A_89 = vector.shape_cast %add3A_11 : vector<2x48x128xf32> to vector<2x1x48x128xf32>
    %add3A_90 = vector.broadcast %broadcast_in_dim3A_89 : vector<2x1x48x128xf32> to vector<2x16x48x128xf32>
    %add3A_91 = arith.addf %get3A_88, %add3A_90 : vector<2x16x48x128xf32>
    %slice3A_92 = vector.extract_strided_slice %get3A_15 {offsets = [3, 0, 0], sizes = [1, 16, 128], strides = [1, 1, 1]} : vector<16x16x128xf32> to vector<1x16x128xf32>
    %squeeze3A_93 = vector.shape_cast %slice3A_92 : vector<1x16x128xf32> to vector<16x128xf32>
    %broadcast_in_dim3A_94 = vector.shape_cast %squeeze3A_93 : vector<16x128xf32> to vector<1x16x1x128xf32>
    %add3A_95 = vector.broadcast %broadcast_in_dim3A_94 : vector<1x16x1x128xf32> to vector<2x16x48x128xf32>
    %add3A_96 = arith.addf %add3A_91, %add3A_95 : vector<2x16x48x128xf32>
    %swap3A_97 = arith.constant 0 : index
    %swap3A_98 = arith.constant 3 : index
    %swap3A_99 = arith.constant 0 : index
    %swap3A_100 = arith.constant 0 : index
    %swap3A_101 = arith.constant 0 : index
    %swap3A_102 = vector.load %arg8[%swap3A_97, %swap3A_98, %swap3A_99, %swap3A_100, %swap3A_101] : memref<2x16x16x48x128xf32, #tpu.memory_space<vmem>>, vector<2x1x16x48x128xf32>
    %swap3A_103 = vector.shape_cast %swap3A_102 : vector<2x1x16x48x128xf32> to vector<2x16x48x128xf32>
    %swap3A_104 = vector.shape_cast %add3A_96 : vector<2x16x48x128xf32> to vector<2x1x16x48x128xf32>
    tpu.vector_store %arg8[%swap3A_97, %swap3A_98, %swap3A_99, %swap3A_100, %swap3A_101], %swap3A_104 {strides = array<i32>} : memref<2x16x16x48x128xf32, #tpu.memory_space<vmem>>, vector<2x1x16x48x128xf32>,
    %get3A_105 = arith.constant 0 : index
    %get3A_106 = arith.constant 4 : index
    %get3A_107 = arith.constant 0 : index
    %get3A_108 = arith.constant 0 : index
    %get3A_109 = arith.constant 0 : index
    %get3A_110 = vector.load %arg7[%get3A_105, %get3A_106, %get3A_107, %get3A_108, %get3A_109] : memref<2x16x16x48x128xf32, #tpu.memory_space<vmem>>, vector<2x1x16x48x128xf32>
    %get3A_111 = vector.shape_cast %get3A_110 : vector<2x1x16x48x128xf32> to vector<2x16x48x128xf32>
    %broadcast_in_dim3A_112 = vector.shape_cast %add3A_11 : vector<2x48x128xf32> to vector<2x1x48x128xf32>
    %add3A_113 = vector.broadcast %broadcast_in_dim3A_112 : vector<2x1x48x128xf32> to vector<2x16x48x128xf32>
    %add3A_114 = arith.addf %get3A_111, %add3A_113 : vector<2x16x48x128xf32>
    %slice3A_115 = vector.extract_strided_slice %get3A_15 {offsets = [4, 0, 0], sizes = [1, 16, 128], strides = [1, 1, 1]} : vector<16x16x128xf32> to vector<1x16x128xf32>
    %squeeze3A_116 = vector.shape_cast %slice3A_115 : vector<1x16x128xf32> to vector<16x128xf32>
    %broadcast_in_dim3A_117 = vector.shape_cast %squeeze3A_116 : vector<16x128xf32> to vector<1x16x1x128xf32>
    %add3A_118 = vector.broadcast %broadcast_in_dim3A_117 : vector<1x16x1x128xf32> to vector<2x16x48x128xf32>
    %add3A_119 = arith.addf %add3A_114, %add3A_118 : vector<2x16x48x128xf32>
    %swap3A_120 = arith.constant 0 : index
    %swap3A_121 = arith.constant 4 : index
    %swap3A_122 = arith.constant 0 : index
    %swap3A_123 = arith.constant 0 : index
    %swap3A_124 = arith.constant 0 : index
    %swap3A_125 = vector.load %arg8[%swap3A_120, %swap3A_121, %swap3A_122, %swap3A_123, %swap3A_124] : memref<2x16x16x48x128xf32, #tpu.memory_space<vmem>>, vector<2x1x16x48x128xf32>
    %swap3A_126 = vector.shape_cast %swap3A_125 : vector<2x1x16x48x128xf32> to vector<2x16x48x128xf32>
    %swap3A_127 = vector.shape_cast %add3A_119 : vector<2x16x48x128xf32> to vector<2x1x16x48x128xf32>
    tpu.vector_store %arg8[%swap3A_120, %swap3A_121, %swap3A_122, %swap3A_123, %swap3A_124], %swap3A_127 {strides = array<i32>} : memref<2x16x16x48x128xf32, #tpu.memory_space<vmem>>, vector<2x1x16x48x128xf32>,
    %get3A_128 = arith.constant 0 : index
    %get3A_129 = arith.constant 5 : index
    %get3A_130 = arith.constant 0 : index
    %get3A_131 = arith.constant 0 : index
    %get3A_132 = arith.constant 0 : index
    %get3A_133 = vector.load %arg7[%get3A_128, %get3A_129, %get3A_130, %get3A_131, %get3A_132] : memref<2x16x16x48x128xf32, #tpu.memory_space<vmem>>, vector<2x1x16x48x128xf32>
    %get3A_134 = vector.shape_cast %get3A_133 : vector<2x1x16x48x128xf32> to vector<2x16x48x128xf32>
    %broadcast_in_dim3A_135 = vector.shape_cast %add3A_11 : vector<2x48x128xf32> to vector<2x1x48x128xf32>
    %add3A_136 = vector.broadcast %broadcast_in_dim3A_135 : vector<2x1x48x128xf32> to vector<2x16x48x128xf32>
    %add3A_137 = arith.addf %get3A_134, %add3A_136 : vector<2x16x48x128xf32>
    %slice3A_138 = vector.extract_strided_slice %get3A_15 {offsets = [5, 0, 0], sizes = [1, 16, 128], strides = [1, 1, 1]} : vector<16x16x128xf32> to vector<1x16x128xf32>
    %squeeze3A_139 = vector.shape_cast %slice3A_138 : vector<1x16x128xf32> to vector<16x128xf32>
    %broadcast_in_dim3A_140 = vector.shape_cast %squeeze3A_139 : vector<16x128xf32> to vector<1x16x1x128xf32>
    %add3A_141 = vector.broadcast %broadcast_in_dim3A_140 : vector<1x16x1x128xf32> to vector<2x16x48x128xf32>
    %add3A_142 = arith.addf %add3A_137, %add3A_141 : vector<2x16x48x128xf32>
    %swap3A_143 = arith.constant 0 : index
    %swap3A_144 = arith.constant 5 : index
    %swap3A_145 = arith.constant 0 : index
    %swap3A_146 = arith.constant 0 : index
    %swap3A_147 = arith.constant 0 : index
    %swap3A_148 = vector.load %arg8[%swap3A_143, %swap3A_144, %swap3A_145, %swap3A_146, %swap3A_147] : memref<2x16x16x48x128xf32, #tpu.memory_space<vmem>>, vector<2x1x16x48x128xf32>
    %swap3A_149 = vector.shape_cast %swap3A_148 : vector<2x1x16x48x128xf32> to vector<2x16x48x128xf32>
    %swap3A_150 = vector.shape_cast %add3A_142 : vector<2x16x48x128xf32> to vector<2x1x16x48x128xf32>
    tpu.vector_store %arg8[%swap3A_143, %swap3A_144, %swap3A_145, %swap3A_146, %swap3A_147], %swap3A_150 {strides = array<i32>} : memref<2x16x16x48x128xf32, #tpu.memory_space<vmem>>, vector<2x1x16x48x128xf32>,
    %get3A_151 = arith.constant 0 : index
    %get3A_152 = arith.constant 6 : index
    %get3A_153 = arith.constant 0 : index
    %get3A_154 = arith.constant 0 : index
    %get3A_155 = arith.constant 0 : index
    %get3A_156 = vector.load %arg7[%get3A_151, %get3A_152, %get3A_153, %get3A_154, %get3A_155] : memref<2x16x16x48x128xf32, #tpu.memory_space<vmem>>, vector<2x1x16x48x128xf32>
    %get3A_157 = vector.shape_cast %get3A_156 : vector<2x1x16x48x128xf32> to vector<2x16x48x128xf32>
    %broadcast_in_dim3A_158 = vector.shape_cast %add3A_11 : vector<2x48x128xf32> to vector<2x1x48x128xf32>
    %add3A_159 = vector.broadcast %broadcast_in_dim3A_158 : vector<2x1x48x128xf32> to vector<2x16x48x128xf32>
    %add3A_160 = arith.addf %get3A_157, %add3A_159 : vector<2x16x48x128xf32>
    %slice3A_161 = vector.extract_strided_slice %get3A_15 {offsets = [6, 0, 0], sizes = [1, 16, 128], strides = [1, 1, 1]} : vector<16x16x128xf32> to vector<1x16x128xf32>
    %squeeze3A_162 = vector.shape_cast %slice3A_161 : vector<1x16x128xf32> to vector<16x128xf32>
    %broadcast_in_dim3A_163 = vector.shape_cast %squeeze3A_162 : vector<16x128xf32> to vector<1x16x1x128xf32>
    %add3A_164 = vector.broadcast %broadcast_in_dim3A_163 : vector<1x16x1x128xf32> to vector<2x16x48x128xf32>
    %add3A_165 = arith.addf %add3A_160, %add3A_164 : vector<2x16x48x128xf32>
    %swap3A_166 = arith.constant 0 : index
    %swap3A_167 = arith.constant 6 : index
    %swap3A_168 = arith.constant 0 : index
    %swap3A_169 = arith.constant 0 : index
    %swap3A_170 = arith.constant 0 : index
    %swap3A_171 = vector.load %arg8[%swap3A_166, %swap3A_167, %swap3A_168, %swap3A_169, %swap3A_170] : memref<2x16x16x48x128xf32, #tpu.memory_space<vmem>>, vector<2x1x16x48x128xf32>
    %swap3A_172 = vector.shape_cast %swap3A_171 : vector<2x1x16x48x128xf32> to vector<2x16x48x128xf32>
    %swap3A_173 = vector.shape_cast %add3A_165 : vector<2x16x48x128xf32> to vector<2x1x16x48x128xf32>
    tpu.vector_store %arg8[%swap3A_166, %swap3A_167, %swap3A_168, %swap3A_169, %swap3A_170], %swap3A_173 {strides = array<i32>} : memref<2x16x16x48x128xf32, #tpu.memory_space<vmem>>, vector<2x1x16x48x128xf32>,
    %get3A_174 = arith.constant 0 : index
    %get3A_175 = arith.constant 7 : index
    %get3A_176 = arith.constant 0 : index
    %get3A_177 = arith.constant 0 : index
    %get3A_178 = arith.constant 0 : index
    %get3A_179 = vector.load %arg7[%get3A_174, %get3A_175, %get3A_176, %get3A_177, %get3A_178] : memref<2x16x16x48x128xf32, #tpu.memory_space<vmem>>, vector<2x1x16x48x128xf32>
    %get3A_180 = vector.shape_cast %get3A_179 : vector<2x1x16x48x128xf32> to vector<2x16x48x128xf32>
    %broadcast_in_dim3A_181 = vector.shape_cast %add3A_11 : vector<2x48x128xf32> to vector<2x1x48x128xf32>
    %add3A_182 = vector.broadcast %broadcast_in_dim3A_181 : vector<2x1x48x128xf32> to vector<2x16x48x128xf32>
    %add3A_183 = arith.addf %get3A_180, %add3A_182 : vector<2x16x48x128xf32>
    %slice3A_184 = vector.extract_strided_slice %get3A_15 {offsets = [7, 0, 0], sizes = [1, 16, 128], strides = [1, 1, 1]} : vector<16x16x128xf32> to vector<1x16x128xf32>
    %squeeze3A_185 = vector.shape_cast %slice3A_184 : vector<1x16x128xf32> to vector<16x128xf32>
    %broadcast_in_dim3A_186 = vector.shape_cast %squeeze3A_185 : vector<16x128xf32> to vector<1x16x1x128xf32>
    %add3A_187 = vector.broadcast %broadcast_in_dim3A_186 : vector<1x16x1x128xf32> to vector<2x16x48x128xf32>
    %add3A_188 = arith.addf %add3A_183, %add3A_187 : vector<2x16x48x128xf32>
    %swap3A_189 = arith.constant 0 : index
    %swap3A_190 = arith.constant 7 : index
    %swap3A_191 = arith.constant 0 : index
    %swap3A_192 = arith.constant 0 : index
    %swap3A_193 = arith.constant 0 : index
    %swap3A_194 = vector.load %arg8[%swap3A_189, %swap3A_190, %swap3A_191, %swap3A_192, %swap3A_193] : memref<2x16x16x48x128xf32, #tpu.memory_space<vmem>>, vector<2x1x16x48x128xf32>
    %swap3A_195 = vector.shape_cast %swap3A_194 : vector<2x1x16x48x128xf32> to vector<2x16x48x128xf32>
    %swap3A_196 = vector.shape_cast %add3A_188 : vector<2x16x48x128xf32> to vector<2x1x16x48x128xf32>
    tpu.vector_store %arg8[%swap3A_189, %swap3A_190, %swap3A_191, %swap3A_192, %swap3A_193], %swap3A_196 {strides = array<i32>} : memref<2x16x16x48x128xf32, #tpu.memory_space<vmem>>, vector<2x1x16x48x128xf32>,
    %get3A_197 = arith.constant 0 : index
    %get3A_198 = arith.constant 8 : index
    %get3A_199 = arith.constant 0 : index
    %get3A_200 = arith.constant 0 : index
    %get3A_201 = arith.constant 0 : index
    %get3A_202 = vector.load %arg7[%get3A_197, %get3A_198, %get3A_199, %get3A_200, %get3A_201] : memref<2x16x16x48x128xf32, #tpu.memory_space<vmem>>, vector<2x1x16x48x128xf32>
    %get3A_203 = vector.shape_cast %get3A_202 : vector<2x1x16x48x128xf32> to vector<2x16x48x128xf32>
    %broadcast_in_dim3A_204 = vector.shape_cast %add3A_11 : vector<2x48x128xf32> to vector<2x1x48x128xf32>
    %add3A_205 = vector.broadcast %broadcast_in_dim3A_204 : vector<2x1x48x128xf32> to vector<2x16x48x128xf32>
    %add3A_206 = arith.addf %get3A_203, %add3A_205 : vector<2x16x48x128xf32>
    %slice3A_207 = vector.extract_strided_slice %get3A_15 {offsets = [8, 0, 0], sizes = [1, 16, 128], strides = [1, 1, 1]} : vector<16x16x128xf32> to vector<1x16x128xf32>
    %squeeze3A_208 = vector.shape_cast %slice3A_207 : vector<1x16x128xf32> to vector<16x128xf32>
    %broadcast_in_dim3A_209 = vector.shape_cast %squeeze3A_208 : vector<16x128xf32> to vector<1x16x1x128xf32>
    %add3A_210 = vector.broadcast %broadcast_in_dim3A_209 : vector<1x16x1x128xf32> to vector<2x16x48x128xf32>
    %add3A_211 = arith.addf %add3A_206, %add3A_210 : vector<2x16x48x128xf32>
    %swap3A_212 = arith.constant 0 : index
    %swap3A_213 = arith.constant 8 : index
    %swap3A_214 = arith.constant 0 : index
    %swap3A_215 = arith.constant 0 : index
    %swap3A_216 = arith.constant 0 : index
    %swap3A_217 = vector.load %arg8[%swap3A_212, %swap3A_213, %swap3A_214, %swap3A_215, %swap3A_216] : memref<2x16x16x48x128xf32, #tpu.memory_space<vmem>>, vector<2x1x16x48x128xf32>
    %swap3A_218 = vector.shape_cast %swap3A_217 : vector<2x1x16x48x128xf32> to vector<2x16x48x128xf32>
    %swap3A_219 = vector.shape_cast %add3A_211 : vector<2x16x48x128xf32> to vector<2x1x16x48x128xf32>
    tpu.vector_store %arg8[%swap3A_212, %swap3A_213, %swap3A_214, %swap3A_215, %swap3A_216], %swap3A_219 {strides = array<i32>} : memref<2x16x16x48x128xf32, #tpu.memory_space<vmem>>, vector<2x1x16x48x128xf32>,
    %get3A_220 = arith.constant 0 : index
    %get3A_221 = arith.constant 9 : index
    %get3A_222 = arith.constant 0 : index
    %get3A_223 = arith.constant 0 : index
    %get3A_224 = arith.constant 0 : index
    %get3A_225 = vector.load %arg7[%get3A_220, %get3A_221, %get3A_222, %get3A_223, %get3A_224] : memref<2x16x16x48x128xf32, #tpu.memory_space<vmem>>, vector<2x1x16x48x128xf32>
    %get3A_226 = vector.shape_cast %get3A_225 : vector<2x1x16x48x128xf32> to vector<2x16x48x128xf32>
    %broadcast_in_dim3A_227 = vector.shape_cast %add3A_11 : vector<2x48x128xf32> to vector<2x1x48x128xf32>
    %add3A_228 = vector.broadcast %broadcast_in_dim3A_227 : vector<2x1x48x128xf32> to vector<2x16x48x128xf32>
    %add3A_229 = arith.addf %get3A_226, %add3A_228 : vector<2x16x48x128xf32>
    %slice3A_230 = vector.extract_strided_slice %get3A_15 {offsets = [9, 0, 0], sizes = [1, 16, 128], strides = [1, 1, 1]} : vector<16x16x128xf32> to vector<1x16x128xf32>
    %squeeze3A_231 = vector.shape_cast %slice3A_230 : vector<1x16x128xf32> to vector<16x128xf32>
    %broadcast_in_dim3A_232 = vector.shape_cast %squeeze3A_231 : vector<16x128xf32> to vector<1x16x1x128xf32>
    %add3A_233 = vector.broadcast %broadcast_in_dim3A_232 : vector<1x16x1x128xf32> to vector<2x16x48x128xf32>
    %add3A_234 = arith.addf %add3A_229, %add3A_233 : vector<2x16x48x128xf32>
    %swap3A_235 = arith.constant 0 : index
    %swap3A_236 = arith.constant 9 : index
    %swap3A_237 = arith.constant 0 : index
    %swap3A_238 = arith.constant 0 : index
    %swap3A_239 = arith.constant 0 : index
    %swap3A_240 = vector.load %arg8[%swap3A_235, %swap3A_236, %swap3A_237, %swap3A_238, %swap3A_239] : memref<2x16x16x48x128xf32, #tpu.memory_space<vmem>>, vector<2x1x16x48x128xf32>
    %swap3A_241 = vector.shape_cast %swap3A_240 : vector<2x1x16x48x128xf32> to vector<2x16x48x128xf32>
    %swap3A_242 = vector.shape_cast %add3A_234 : vector<2x16x48x128xf32> to vector<2x1x16x48x128xf32>
    tpu.vector_store %arg8[%swap3A_235, %swap3A_236, %swap3A_237, %swap3A_238, %swap3A_239], %swap3A_242 {strides = array<i32>} : memref<2x16x16x48x128xf32, #tpu.memory_space<vmem>>, vector<2x1x16x48x128xf32>,
    %get3A_243 = arith.constant 0 : index
    %get3A_244 = arith.constant 10 : index
    %get3A_245 = arith.constant 0 : index
    %get3A_246 = arith.constant 0 : index
    %get3A_247 = arith.constant 0 : index
    %get3A_248 = vector.load %arg7[%get3A_243, %get3A_244, %get3A_245, %get3A_246, %get3A_247] : memref<2x16x16x48x128xf32, #tpu.memory_space<vmem>>, vector<2x1x16x48x128xf32>
    %get3A_249 = vector.shape_cast %get3A_248 : vector<2x1x16x48x128xf32> to vector<2x16x48x128xf32>
    %broadcast_in_dim3A_250 = vector.shape_cast %add3A_11 : vector<2x48x128xf32> to vector<2x1x48x128xf32>
    %add3A_251 = vector.broadcast %broadcast_in_dim3A_250 : vector<2x1x48x128xf32> to vector<2x16x48x128xf32>
    %add3A_252 = arith.addf %get3A_249, %add3A_251 : vector<2x16x48x128xf32>
    %slice3A_253 = vector.extract_strided_slice %get3A_15 {offsets = [10, 0, 0], sizes = [1, 16, 128], strides = [1, 1, 1]} : vector<16x16x128xf32> to vector<1x16x128xf32>
    %squeeze3A_254 = vector.shape_cast %slice3A_253 : vector<1x16x128xf32> to vector<16x128xf32>
    %broadcast_in_dim3A_255 = vector.shape_cast %squeeze3A_254 : vector<16x128xf32> to vector<1x16x1x128xf32>
    %add3A_256 = vector.broadcast %broadcast_in_dim3A_255 : vector<1x16x1x128xf32> to vector<2x16x48x128xf32>
    %add3A_257 = arith.addf %add3A_252, %add3A_256 : vector<2x16x48x128xf32>
    %swap3A_258 = arith.constant 0 : index
    %swap3A_259 = arith.constant 10 : index
    %swap3A_260 = arith.constant 0 : index
    %swap3A_261 = arith.constant 0 : index
    %swap3A_262 = arith.constant 0 : index
    %swap3A_263 = vector.load %arg8[%swap3A_258, %swap3A_259, %swap3A_260, %swap3A_261, %swap3A_262] : memref<2x16x16x48x128xf32, #tpu.memory_space<vmem>>, vector<2x1x16x48x128xf32>
    %swap3A_264 = vector.shape_cast %swap3A_263 : vector<2x1x16x48x128xf32> to vector<2x16x48x128xf32>
    %swap3A_265 = vector.shape_cast %add3A_257 : vector<2x16x48x128xf32> to vector<2x1x16x48x128xf32>
    tpu.vector_store %arg8[%swap3A_258, %swap3A_259, %swap3A_260, %swap3A_261, %swap3A_262], %swap3A_265 {strides = array<i32>} : memref<2x16x16x48x128xf32, #tpu.memory_space<vmem>>, vector<2x1x16x48x128xf32>,
    %get3A_266 = arith.constant 0 : index
    %get3A_267 = arith.constant 11 : index
    %get3A_268 = arith.constant 0 : index
    %get3A_269 = arith.constant 0 : index
    %get3A_270 = arith.constant 0 : index
    %get3A_271 = vector.load %arg7[%get3A_266, %get3A_267, %get3A_268, %get3A_269, %get3A_270] : memref<2x16x16x48x128xf32, #tpu.memory_space<vmem>>, vector<2x1x16x48x128xf32>
    %get3A_272 = vector.shape_cast %get3A_271 : vector<2x1x16x48x128xf32> to vector<2x16x48x128xf32>
    %broadcast_in_dim3A_273 = vector.shape_cast %add3A_11 : vector<2x48x128xf32> to vector<2x1x48x128xf32>
    %add3A_274 = vector.broadcast %broadcast_in_dim3A_273 : vector<2x1x48x128xf32> to vector<2x16x48x128xf32>
    %add3A_275 = arith.addf %get3A_272, %add3A_274 : vector<2x16x48x128xf32>
    %slice3A_276 = vector.extract_strided_slice %get3A_15 {offsets = [11, 0, 0], sizes = [1, 16, 128], strides = [1, 1, 1]} : vector<16x16x128xf32> to vector<1x16x128xf32>
    %squeeze3A_277 = vector.shape_cast %slice3A_276 : vector<1x16x128xf32> to vector<16x128xf32>
    %broadcast_in_dim3A_278 = vector.shape_cast %squeeze3A_277 : vector<16x128xf32> to vector<1x16x1x128xf32>
    %add3A_279 = vector.broadcast %broadcast_in_dim3A_278 : vector<1x16x1x128xf32> to vector<2x16x48x128xf32>
    %add3A_280 = arith.addf %add3A_275, %add3A_279 : vector<2x16x48x128xf32>
    %swap3A_281 = arith.constant 0 : index
    %swap3A_282 = arith.constant 11 : index
    %swap3A_283 = arith.constant 0 : index
    %swap3A_284 = arith.constant 0 : index
    %swap3A_285 = arith.constant 0 : index
    %swap3A_286 = vector.load %arg8[%swap3A_281, %swap3A_282, %swap3A_283, %swap3A_284, %swap3A_285] : memref<2x16x16x48x128xf32, #tpu.memory_space<vmem>>, vector<2x1x16x48x128xf32>
    %swap3A_287 = vector.shape_cast %swap3A_286 : vector<2x1x16x48x128xf32> to vector<2x16x48x128xf32>
    %swap3A_288 = vector.shape_cast %add3A_280 : vector<2x16x48x128xf32> to vector<2x1x16x48x128xf32>
    tpu.vector_store %arg8[%swap3A_281, %swap3A_282, %swap3A_283, %swap3A_284, %swap3A_285], %swap3A_288 {strides = array<i32>} : memref<2x16x16x48x128xf32, #tpu.memory_space<vmem>>, vector<2x1x16x48x128xf32>,
    %get3A_289 = arith.constant 0 : index
    %get3A_290 = arith.constant 12 : index
    %get3A_291 = arith.constant 0 : index
    %get3A_292 = arith.constant 0 : index
    %get3A_293 = arith.constant 0 : index
    %get3A_294 = vector.load %arg7[%get3A_289, %get3A_290, %get3A_291, %get3A_292, %get3A_293] : memref<2x16x16x48x128xf32, #tpu.memory_space<vmem>>, vector<2x1x16x48x128xf32>
    %get3A_295 = vector.shape_cast %get3A_294 : vector<2x1x16x48x128xf32> to vector<2x16x48x128xf32>
    %broadcast_in_dim3A_296 = vector.shape_cast %add3A_11 : vector<2x48x128xf32> to vector<2x1x48x128xf32>
    %add3A_297 = vector.broadcast %broadcast_in_dim3A_296 : vector<2x1x48x128xf32> to vector<2x16x48x128xf32>
    %add3A_298 = arith.addf %get3A_295, %add3A_297 : vector<2x16x48x128xf32>
    %slice3A_299 = vector.extract_strided_slice %get3A_15 {offsets = [12, 0, 0], sizes = [1, 16, 128], strides = [1, 1, 1]} : vector<16x16x128xf32> to vector<1x16x128xf32>
    %squeeze3A_300 = vector.shape_cast %slice3A_299 : vector<1x16x128xf32> to vector<16x128xf32>
    %broadcast_in_dim3A_301 = vector.shape_cast %squeeze3A_300 : vector<16x128xf32> to vector<1x16x1x128xf32>
    %add3A_302 = vector.broadcast %broadcast_in_dim3A_301 : vector<1x16x1x128xf32> to vector<2x16x48x128xf32>
    %add3A_303 = arith.addf %add3A_298, %add3A_302 : vector<2x16x48x128xf32>
    %swap3A_304 = arith.constant 0 : index
    %swap3A_305 = arith.constant 12 : index
    %swap3A_306 = arith.constant 0 : index
    %swap3A_307 = arith.constant 0 : index
    %swap3A_308 = arith.constant 0 : index
    %swap3A_309 = vector.load %arg8[%swap3A_304, %swap3A_305, %swap3A_306, %swap3A_307, %swap3A_308] : memref<2x16x16x48x128xf32, #tpu.memory_space<vmem>>, vector<2x1x16x48x128xf32>
    %swap3A_310 = vector.shape_cast %swap3A_309 : vector<2x1x16x48x128xf32> to vector<2x16x48x128xf32>
    %swap3A_311 = vector.shape_cast %add3A_303 : vector<2x16x48x128xf32> to vector<2x1x16x48x128xf32>
    tpu.vector_store %arg8[%swap3A_304, %swap3A_305, %swap3A_306, %swap3A_307, %swap3A_308], %swap3A_311 {strides = array<i32>} : memref<2x16x16x48x128xf32, #tpu.memory_space<vmem>>, vector<2x1x16x48x128xf32>,
    %get3A_312 = arith.constant 0 : index
    %get3A_313 = arith.constant 13 : index
    %get3A_314 = arith.constant 0 : index
    %get3A_315 = arith.constant 0 : index
    %get3A_316 = arith.constant 0 : index
    %get3A_317 = vector.load %arg7[%get3A_312, %get3A_313, %get3A_314, %get3A_315, %get3A_316] : memref<2x16x16x48x128xf32, #tpu.memory_space<vmem>>, vector<2x1x16x48x128xf32>
    %get3A_318 = vector.shape_cast %get3A_317 : vector<2x1x16x48x128xf32> to vector<2x16x48x128xf32>
    %broadcast_in_dim3A_319 = vector.shape_cast %add3A_11 : vector<2x48x128xf32> to vector<2x1x48x128xf32>
    %add3A_320 = vector.broadcast %broadcast_in_dim3A_319 : vector<2x1x48x128xf32> to vector<2x16x48x128xf32>
    %add3A_321 = arith.addf %get3A_318, %add3A_320 : vector<2x16x48x128xf32>
    %slice3A_322 = vector.extract_strided_slice %get3A_15 {offsets = [13, 0, 0], sizes = [1, 16, 128], strides = [1, 1, 1]} : vector<16x16x128xf32> to vector<1x16x128xf32>
    %squeeze3A_323 = vector.shape_cast %slice3A_322 : vector<1x16x128xf32> to vector<16x128xf32>
    %broadcast_in_dim3A_324 = vector.shape_cast %squeeze3A_323 : vector<16x128xf32> to vector<1x16x1x128xf32>
    %add3A_325 = vector.broadcast %broadcast_in_dim3A_324 : vector<1x16x1x128xf32> to vector<2x16x48x128xf32>
    %add3A_326 = arith.addf %add3A_321, %add3A_325 : vector<2x16x48x128xf32>
    %swap3A_327 = arith.constant 0 : index
    %swap3A_328 = arith.constant 13 : index
    %swap3A_329 = arith.constant 0 : index
    %swap3A_330 = arith.constant 0 : index
    %swap3A_331 = arith.constant 0 : index
    %swap3A_332 = vector.load %arg8[%swap3A_327, %swap3A_328, %swap3A_329, %swap3A_330, %swap3A_331] : memref<2x16x16x48x128xf32, #tpu.memory_space<vmem>>, vector<2x1x16x48x128xf32>
    %swap3A_333 = vector.shape_cast %swap3A_332 : vector<2x1x16x48x128xf32> to vector<2x16x48x128xf32>
    %swap3A_334 = vector.shape_cast %add3A_326 : vector<2x16x48x128xf32> to vector<2x1x16x48x128xf32>
    tpu.vector_store %arg8[%swap3A_327, %swap3A_328, %swap3A_329, %swap3A_330, %swap3A_331], %swap3A_334 {strides = array<i32>} : memref<2x16x16x48x128xf32, #tpu.memory_space<vmem>>, vector<2x1x16x48x128xf32>,
    %get3A_335 = arith.constant 0 : index
    %get3A_336 = arith.constant 14 : index
    %get3A_337 = arith.constant 0 : index
    %get3A_338 = arith.constant 0 : index
    %get3A_339 = arith.constant 0 : index
    %get3A_340 = vector.load %arg7[%get3A_335, %get3A_336, %get3A_337, %get3A_338, %get3A_339] : memref<2x16x16x48x128xf32, #tpu.memory_space<vmem>>, vector<2x1x16x48x128xf32>
    %get3A_341 = vector.shape_cast %get3A_340 : vector<2x1x16x48x128xf32> to vector<2x16x48x128xf32>
    %broadcast_in_dim3A_342 = vector.shape_cast %add3A_11 : vector<2x48x128xf32> to vector<2x1x48x128xf32>
    %add3A_343 = vector.broadcast %broadcast_in_dim3A_342 : vector<2x1x48x128xf32> to vector<2x16x48x128xf32>
    %add3A_344 = arith.addf %get3A_341, %add3A_343 : vector<2x16x48x128xf32>
    %slice3A_345 = vector.extract_strided_slice %get3A_15 {offsets = [14, 0, 0], sizes = [1, 16, 128], strides = [1, 1, 1]} : vector<16x16x128xf32> to vector<1x16x128xf32>
    %squeeze3A_346 = vector.shape_cast %slice3A_345 : vector<1x16x128xf32> to vector<16x128xf32>
    %broadcast_in_dim3A_347 = vector.shape_cast %squeeze3A_346 : vector<16x128xf32> to vector<1x16x1x128xf32>
    %add3A_348 = vector.broadcast %broadcast_in_dim3A_347 : vector<1x16x1x128xf32> to vector<2x16x48x128xf32>
    %add3A_349 = arith.addf %add3A_344, %add3A_348 : vector<2x16x48x128xf32>
    %swap3A_350 = arith.constant 0 : index
    %swap3A_351 = arith.constant 14 : index
    %swap3A_352 = arith.constant 0 : index
    %swap3A_353 = arith.constant 0 : index
    %swap3A_354 = arith.constant 0 : index
    %swap3A_355 = vector.load %arg8[%swap3A_350, %swap3A_351, %swap3A_352, %swap3A_353, %swap3A_354] : memref<2x16x16x48x128xf32, #tpu.memory_space<vmem>>, vector<2x1x16x48x128xf32>
    %swap3A_356 = vector.shape_cast %swap3A_355 : vector<2x1x16x48x128xf32> to vector<2x16x48x128xf32>
    %swap3A_357 = vector.shape_cast %add3A_349 : vector<2x16x48x128xf32> to vector<2x1x16x48x128xf32>
    tpu.vector_store %arg8[%swap3A_350, %swap3A_351, %swap3A_352, %swap3A_353, %swap3A_354], %swap3A_357 {strides = array<i32>} : memref<2x16x16x48x128xf32, #tpu.memory_space<vmem>>, vector<2x1x16x48x128xf32>,
    %get3A_358 = arith.constant 0 : index
    %get3A_359 = arith.constant 15 : index
    %get3A_360 = arith.constant 0 : index
    %get3A_361 = arith.constant 0 : index
    %get3A_362 = arith.constant 0 : index
    %get3A_363 = vector.load %arg7[%get3A_358, %get3A_359, %get3A_360, %get3A_361, %get3A_362] : memref<2x16x16x48x128xf32, #tpu.memory_space<vmem>>, vector<2x1x16x48x128xf32>
    %get3A_364 = vector.shape_cast %get3A_363 : vector<2x1x16x48x128xf32> to vector<2x16x48x128xf32>
    %broadcast_in_dim3A_365 = vector.shape_cast %add3A_11 : vector<2x48x128xf32> to vector<2x1x48x128xf32>
    %add3A_366 = vector.broadcast %broadcast_in_dim3A_365 : vector<2x1x48x128xf32> to vector<2x16x48x128xf32>
    %add3A_367 = arith.addf %get3A_364, %add3A_366 : vector<2x16x48x128xf32>
    %slice3A_368 = vector.extract_strided_slice %get3A_15 {offsets = [15, 0, 0], sizes = [1, 16, 128], strides = [1, 1, 1]} : vector<16x16x128xf32> to vector<1x16x128xf32>
    %squeeze3A_369 = vector.shape_cast %slice3A_368 : vector<1x16x128xf32> to vector<16x128xf32>
    %broadcast_in_dim3A_370 = vector.shape_cast %squeeze3A_369 : vector<16x128xf32> to vector<1x16x1x128xf32>
    %add3A_371 = vector.broadcast %broadcast_in_dim3A_370 : vector<1x16x1x128xf32> to vector<2x16x48x128xf32>
    %add3A_372 = arith.addf %add3A_367, %add3A_371 : vector<2x16x48x128xf32>
    %swap3A_373 = arith.constant 0 : index
    %swap3A_374 = arith.constant 15 : index
    %swap3A_375 = arith.constant 0 : index
    %swap3A_376 = arith.constant 0 : index
    %swap3A_377 = arith.constant 0 : index
    %swap3A_378 = vector.load %arg8[%swap3A_373, %swap3A_374, %swap3A_375, %swap3A_376, %swap3A_377] : memref<2x16x16x48x128xf32, #tpu.memory_space<vmem>>, vector<2x1x16x48x128xf32>
    %swap3A_379 = vector.shape_cast %swap3A_378 : vector<2x1x16x48x128xf32> to vector<2x16x48x128xf32>
    %swap3A_380 = vector.shape_cast %add3A_372 : vector<2x16x48x128xf32> to vector<2x1x16x48x128xf32>
    tpu.vector_store %arg8[%swap3A_373, %swap3A_374, %swap3A_375, %swap3A_376, %swap3A_377], %swap3A_380 {strides = array<i32>} : memref<2x16x16x48x128xf32, #tpu.memory_space<vmem>>, vector<2x1x16x48x128xf32>,
    return
  }
  func.func @transform_0(%arg0: i32) -> (i32, i32, i32) {
    %c0_i32 = arith.constant 0 : i32
    %c0_i32_0 = arith.constant 0 : i32
    %c0_i32_1 = arith.constant 0 : i32
    return %arg0, %c0_i32, %c0_i32_0 : i32, i32, i32
  }
  func.func @transform_1(%arg0: i32) -> i32 {
    %c0_i32 = arith.constant 0 : i32
    %c0_i32_0 = arith.constant 0 : i32
    return %c0_i32 : i32
  }
  func.func @transform_2(%arg0: i32) -> (i32, i32) {
    %c0_i32 = arith.constant 0 : i32
    %c0_i32_0 = arith.constant 0 : i32
    %c0_i32_1 = arith.constant 0 : i32
    return %c0_i32, %c0_i32_0 : i32, i32
  }
  func.func @transform_3(%arg0: i32) -> (i32, i32) {
    %c0_i32 = arith.constant 0 : i32
    %c0_i32_0 = arith.constant 0 : i32
    %c0_i32_1 = arith.constant 0 : i32
    return %c0_i32, %c0_i32_0 : i32, i32
  }
  func.func @transform_4(%arg0: i32) -> (i32, i32, i32) {
    %c0_i32 = arith.constant 0 : i32
    %c0_i32_0 = arith.constant 0 : i32
    %c0_i32_1 = arith.constant 0 : i32
    %c0_i32_2 = arith.constant 0 : i32
    return %c0_i32, %c0_i32_0, %c0_i32_1 : i32, i32, i32
  }
  func.func @transform_5(%arg0: i32) -> (i32, i32) {
    %c0_i32 = arith.constant 0 : i32
    %c0_i32_0 = arith.constant 0 : i32
    %c0_i32_1 = arith.constant 0 : i32
    return %c0_i32, %c0_i32_0 : i32, i32
  }
  func.func @transform_6(%arg0: i32) -> (i32, i32, i32, i32, i32) {
    %c0_i32 = arith.constant 0 : i32
    %c0_i32_0 = arith.constant 0 : i32
    %c0_i32_1 = arith.constant 0 : i32
    %c0_i32_2 = arith.constant 0 : i32
    %c0_i32_3 = arith.constant 0 : i32
    return %arg0, %c0_i32, %c0_i32_0, %c0_i32_1, %c0_i32_2 : i32, i32, i32, i32, i32
  }
  func.func @transform_7(%arg0: i32) -> (i32, i32, i32, i32, i32) {
    %c0_i32 = arith.constant 0 : i32
    %c0_i32_0 = arith.constant 0 : i32
    %c0_i32_1 = arith.constant 0 : i32
    %c0_i32_2 = arith.constant 0 : i32
    %c0_i32_3 = arith.constant 0 : i32
    return %arg0, %c0_i32, %c0_i32_0, %c0_i32_1, %c0_i32_2 : i32, i32, i32, i32, i32
  }
}

</mosaic_0001>

<sc_bundles>
// kernel: kernel.4.cloned.1.call-start
scs
__scs_entry_jumppad:
0x0: {  	(pc) =	sbr.rel $0x88, $3  }
0x1: {  	(tag) =	ssettag $0x0;
	lr =	simm.s32 $0x1  }
0x2: {  	[smem:$0x3F9C] =	sst lr;
	_ =	strace $0xD0000000  }
0x3: {  	_ = 	snop  }
0x4: {  	_ = 	snop  }
0x5: {  	_ = 	snop  }
0x6: {  	_ = 	snop  }
0x7: {  	_ = 	snop  }
__scs_overlays_trampoline_lowered:
0x8: {  	[smem:$0x3FAB] =	sst s0  }
0x9: {  	[smem:$0x3FAC] =	sst s1  }
0xa: {  	[smem:$0x3FAD] =	sst s2  }
0xb: {  	[smem:$0x3FAE] =	sst s3  }
0xc: {  	[smem:$0x3FAF] =	sst s4  }
0xd: {  	[smem:$0x3FB0] =	sst s5  }
0xe: {  	[smem:$0x3FB1] =	sst s6  }
0xf: {  	[smem:$0x3FB2] =	sst s7  }
0x10: {  	[smem:$0x3FB3] =	sst s8  }
0x11: {  	[smem:$0x3FB4] =	sst s9;
	s0 =	simm.s32 @!p0 $0x0  }
0x12: {  	s1 =	sld [smem:$0x3F9A];
	s0 =	simm.s32 @p0 $0x1  }
0x13: {  	[smem:$0x3FB5] =	sst s0;
	s0 =	simm.s32 @!p1 $0x0  }
0x14: {  	s2 =	sld [smem:$0x3F99];
	s0 =	simm.s32 @p1 $0x1  }
0x15: {  	[smem:$0x3FB6] =	sst s0;
	s0 =	simm.s32 @!p2 $0x0  }
0x16: {  	s3 =	sld [smem:$0x3FDB];
	s0 =	simm.s32 @p2 $0x1  }
0x17: {  	s4 =	simm.s32 $0x1BF5;
	[smem:$0x3FB8] =	sst s0  }
0x18: {  	s0 =	sld [smem:$0x3F9B];
	_ =	swait.ge [sflag:s4], $0x0  }
0x19: {  	s7 =	sld [smem:$0x3F9C]  }
0x1a: {  	s8 =	sadd.s32 $0xFFFFE003, lr  }
0x1b: {  	s9 =	sadd.s32 $0xFFFFFEF7, lr;
	s5 =	simm.s32 $0xFFFFFFFF;
	p2 =	slt.u32 s8, $0xFFFFF086  }
0x1c: {  	p1 =	slt.u32 s9, $0xF7A;
	s5 =	simm.s32 @!p2 $0x0  }
0x1d: {  	s5 =	simm.s32 @p1 $0x1;
	p0 =	seq.s32 s7, s2  }
0x1e: {  	s7 =	smul.u32 @!p0 $0xF7A, s2;
	p2 =	seq.s32 @!p0 s5, $0x0  }
0x1f: {  	s9 =	smul.u32 $0xF7A, s1;
	s8 =	simm.s32 @!p0 $0x1BF5;
	p2 =	por !p2, p0  }
0x20: {  	[sflag:s8] =	ssyncset.s32 @!p0 $0xFFFFF086;
	s6 =	sadd.s32 @!p0 s3, s7;
	s7 =	simm.s32 @!p0 $0x108  }
0x21: {  	s3 =	sadd.s32 s3, s9;
	s6 =	sadd.s32 @!p0 $0x88, s6;
	s7 =	simm.s32 @p2 $0x1082  }
0x22: {  	[simem:s7], [sflag:s8] =	dma.local @!p0 [hbm:s6], $0xF7A  }
0x23: {  	s9 =	sor.u32 $0xD0000000, s2;
	s6 =	simm.s32 $0x108;
	_ =	swait.ge @!p0 [sflag:s8], $0x0  }
0x24: {  	s3 =	sadd.s32 $0x88, s3;
	s6 =	simm.s32 @!p1 $0x1082;
	[sflag:s4] =	ssyncset.s32 $0xFFFFF086  }
0x25: {  	[simem:s6], [sflag:s4] =	dma.local [hbm:s3], $0xF7A  }
0x26: {  	[smem:$0x3F9C] =	sst s1;
	(tag) =	ssettag s2;
	_ =	strace s9  }
0x27: {  	s1 =	sld [smem:$0x3FAC]  }
0x28: {  	s2 =	sld [smem:$0x3FAD]  }
0x29: {  	s4 =	sld [smem:$0x3FAF]  }
0x2a: {  	p0 =	seq.s32 s5, $0x0;
	s5 =	sld [smem:$0x3FB0]  }
0x2b: {  	s6 =	sld [smem:$0x3FB1]  }
0x2c: {  	s7 =	sld [smem:$0x3FB2]  }
0x2d: {  	s3 =	simm.s32 $0x108;
	s8 =	sld [smem:$0x3FB3]  }
0x2e: {  	s3 =	simm.s32 @!p0 $0x1082;
	s9 =	sld [smem:$0x3FB4]  }
0x2f: {  	lr =	sadd.s32 s0, s3;
	s0 =	sld [smem:$0x3FAB]  }
0x30: {  	s3 =	sld [smem:$0x3FAE]  }
0x31: {  	[smem:$0x3FB7] =	sst s10  }
0x32: {  	s10 =	sld [smem:$0x3FB5];
	_ =	sdelay $0x3  }
0x33: {  	p0 =	seq.s32 s10, $0x1;
	s10 =	sld [smem:$0x3FB7];
	_ =	sdelay $0x3  }
0x34: {  	[smem:$0x3FB7] =	sst s10  }
0x35: {  	s10 =	sld [smem:$0x3FB6];
	_ =	sdelay $0x3  }
0x36: {  	p1 =	seq.s32 s10, $0x1;
	s10 =	sld [smem:$0x3FB7];
	_ =	sdelay $0x3  }
0x37: {  	[smem:$0x3FB7] =	sst s10  }
0x38: {  	s10 =	sld [smem:$0x3FB8]  }
0x39: {  	_ = 	snop;
	(pc) =	sbr.ind lr, $3  }
0x3a: {  	_ = 	snop  }
0x3b: {  	_ = 	snop  }
0x3c: {  	p2 =	seq.s32 s10, $0x1;
	s10 =	sld [smem:$0x3FB7]  }
0x3d: {  	_ =	shalt  }
0x3e: {  	_ =	shalt  }
0x3f: {  	_ =	shalt  }
0x40: {  	_ =	shalt  }
0x41: {  	_ =	shalt  }
0x42: {  	_ =	shalt  }
0x43: {  	_ =	shalt  }
0x44: {  	_ =	shalt  }
0x45: {  	_ =	shalt  }
0x46: {  	_ =	shalt  }
0x47: {  	_ =	shalt  }
0x48: {  	_ =	shalt  }
0x49: {  	_ =	shalt  }
0x4a: {  	_ =	shalt  }
0x4b: {  	_ =	shalt  }
0x4c: {  	_ =	shalt  }
0x4d: {  	_ =	shalt  }
0x4e: {  	_ =	shalt  }
0x4f: {  	_ =	shalt  }
0x50: {  	_ =	shalt  }
0x51: {  	_ =	shalt  }
0x52: {  	_ =	shalt  }
0x53: {  	_ =	shalt  }
0x54: {  	_ =	shalt  }
0x55: {  	_ =	shalt  }
0x56: {  	_ =	shalt  }
0x57: {  	_ =	shalt  }
0x58: {  	_ =	shalt  }
0x59: {  	_ =	shalt  }
0x5a: {  	_ =	shalt  }
0x5b: {  	_ =	shalt  }
0x5c: {  	_ =	shalt  }
0x5d: {  	_ =	shalt  }
0x5e: {  	_ =	shalt  }
0x5f: {  	_ =	shalt  }
0x60: {  	_ =	shalt  }
0x61: {  	_ =	shalt  }
0x62: {  	_ =	shalt  }
0x63: {  	_ =	shalt  }
0x64: {  	_ =	shalt  }
0x65: {  	_ =	shalt  }
0x66: {  	_ =	shalt  }
0x67: {  	_ =	shalt  }
0x68: {  	_ =	shalt  }
0x69: {  	_ =	shalt  }
0x6a: {  	_ =	shalt  }
0x6b: {  	_ =	shalt  }
0x6c: {  	_ =	shalt  }
0x6d: {  	_ =	shalt  }
0x6e: {  	_ =	shalt  }
0x6f: {  	_ =	shalt  }
0x70: {  	_ =	shalt  }
0x71: {  	_ =	shalt  }
0x72: {  	_ =	shalt  }
0x73: {  	_ =	shalt  }
0x74: {  	_ =	shalt  }
0x75: {  	_ =	shalt  }
0x76: {  	_ =	shalt  }
0x77: {  	_ =	shalt  }
0x78: {  	_ =	shalt  }
0x79: {  	_ =	shalt  }
0x7a: {  	_ =	shalt  }
0x7b: {  	_ =	shalt  }
0x7c: {  	_ =	shalt  }
0x7d: {  	_ =	shalt  }
0x7e: {  	_ =	shalt  }
0x7f: {  	_ =	shalt  }
0x80: {  	_ =	shalt  }
0x81: {  	_ =	shalt  }
0x82: {  	_ =	shalt  }
0x83: {  	_ =	shalt  }
0x84: {  	_ =	shalt  }
0x85: {  	_ =	shalt  }
0x86: {  	_ =	shalt  }
0x87: {  	_ =	shalt  }
.Lfunc_end0:
.L_simem_size_0:
called_computation_lowered:
.L_overlay_start_0:
0x88: {  	s2 =	sld [smem:$0x3FD9]  }
0x89: {  	s3 =	sld [smem:$0x3FFE];
	_ =	sdelay $0x1  }
0x8a: {  	s1 =	srdreg.scid  }
0x8b: {  	s0 =	sand.u32 $0x1, s1  }
0x8c: {  	s17 =	sshll.u32 s0, $0xA;
	s2 =	sadd.s32 s3, s2  }
0x8d: {  	s2 =	sadd.s32 s2, s17  }
0x8e: {  	[smem:$0x3FC3] =	sst s2  }
0x8f: {  	_ = 	snop  }
0x90: {  	s2 =	sld [smem:$0x3FD0];
	(tm) =	ssettm $0x1  }
0x91: {  	s18 =	sld [smem:$0x3FFB];
	_ =	sdelay $0x3  }
0x92: {  	_ =	strace s18  }
0x93: {  	s3 =	sld [smem:$0x3FFC];
	_ =	sdelay $0x3  }
0x94: {  	_ =	strace s3  }
0x95: {  	s3 =	sld [smem:$0x3FFD];
	_ =	sdelay $0x3  }
0x96: {  	_ =	strace s3  }
0x97: {  	_ =	strace $0x8FFFFFFF  }
0x98: {  	s19 =	sld [smem:$0x3FDB];
	_ =	sdelay $0x1  }
0x99: {  	s4 =	simm.s32 $_scs_section_size  }
0x9a: {  	s5 =	simm.s32 $_size__tile_overlayer_lowered;
	s6 =	simm.s32 $_tile_overlayer_lowered  }
0x9b: {  	s22 =	simm.s32 $0x1BFF;
	s21 =	sshll.u32 s6, $0x1;
	s3 =	sadd.s32 s4, s19  }
0x9c: {  	s7 =	simm.s32 $0x0;
	s20 =	sshll.u32 s5, $0x1;
	s5 =	sadd.s32 s21, s3  }
0x9d: {  	[timem:s7], [sflag:s22] =	dma.local [hbm:s5], s20  }
0x9e: {  	_ =	swait.ge [sflag:s22], s20  }
0x9f: {  	s4 =	ssub.s32 $0x0, s20;
	[sflag:s22] =	ssyncset.done $0x0  }
0xa0: {  	[sflag:s22] =	ssyncadd.s32 s4;
	_ =	sdelay $0x1  }
0xa1: {  	s23 =	simm.s32 $0x1B8B  }
0xa2: {  	_ =	swait.ge [sflag:s23], $0x1  }
0xa3: {  	[sflag:s23] =	ssyncset.done $0x0  }
0xa4: {  	s25 =	simm.s32 $0x1B8E;
	s24 =	sld [smem:$0x3FFE];
	[sflag:s23] =	ssyncadd.s32 $0xFFFFFFFF  }
0xa5: {  	s26 =	simm.s32 $execute0_lowered;
	[smem:$0x3FD2] =	sst s25  }
0xa6: {  	s5 =	sshll.u32 s26, $0x1;
	_ =	strace $0x80000046;
	[dreg:$0x1] =	wrdreg $0xFFFFFFFF  }
0xa7: {  	s28 =	simm.s32 $_size_execute0_lowered;
	s3 =	sadd.s32 s3, s5;
	[dreg:$0x0] =	wrdreg $0x0  }
0xa8: {  	s5 =	sshll.u32 s28, $0x1;
	[dreg:$0x2] =	wrdreg s3  }
0xa9: {  	[dreg:$0x3] =	wrdreg s5  }
0xaa: {  	[dreg:$0x4] =	wrdreg $0xC0  }
0xab: {  	_ =	task [dreg:s7], $0x5FFFF  }
0xac: {  	[dreg:$0x1] =	wrdreg $0xFFFFFFFF  }
0xad: {  	[dreg:$0x0] =	wrdreg $0x60  }
0xae: {  	[dreg:$0x2] =	wrdreg s24  }
0xaf: {  	[dreg:$0x3] =	wrdreg s2  }
0xb0: {  	[dreg:$0x4] =	wrdreg $0x9  }
0xb1: {  	_ =	task.clear_ibuf [dreg:s7], $0x5FFFF;
	_ =	strace $0x90000046  }
0xb2: {  	s29 =	simm.s32 $0x9;
	_ =	strace $0x80000048  }
0xb3: {  	_ =	swait.ge [sflag:s29], $0x1  }
0xb4: {  	[sflag:s29] =	ssyncadd.s32 $0xFFFFFFFF  }
0xb5: {  	_ =	strace $0x90000048  }
0xb6: {  	_ =	sfence  }
0xb7: {  	s30 =	sld [smem:$0x0];
	_ =	sdelay $0x2  }
0xb8: {  	s31 =	sshll.u32 s1, $0xD;
	s1 =	sshrl.u32 s1, $0x2  }
0xb9: {  	s3 =	sand.u32 $0x4000, s31;
	s1 =	sadd.s32 s1, s30  }
0xba: {  	s0 =	sor.u32 s3, s0;
	s1 =	sshll.u32 s1, $0x11  }
0xbb: {  	s0 =	sor.u32 s1, s0  }
0xbc: {  	s0 =	sadd.s32 $0x8F2B, s0  }
0xbd: {  	[sflag:s0] =	ssyncadd.remote.s32 $0x1  }
0xbe: {  	_ =	sfence.sel $0xFFFF  }
0xbf: {  	[dreg:$0x0] =	wrdreg $0xFFFFFFFF;
	(pc) =	sbr.abs _section_cstart, $3  }
0xc0: {  	[dreg:$0x1] =	wrdreg $0xFFFFFFFF  }
0xc1: {  	_ =	task.clear_ibuf [dreg:s7], $0x2FFFF;
	_ =	strace $0x9FFFFFFF  }
0xc2: {  	(tm) =	ssettm $0x7FFFFFFF  }
0xc3: {  	_ =	shalt  }
tec
execute0_lowered:
.L_overlay_start_1:
0x0: {  	(tag) =	ssettag $0x1  }
0x1: {  	s1 =	stileid.u32  }
0x2: {  	p0 =	sgt.u32 s1, $0xB  }
.Ltmp0:
0x3: {  	_ = 	snop;
	(pc) =	sbr.rel @p0 .LBB2_4-.Ltmp0, $4  }
0x4: {  	s5 =	rddreg [dreg:$0x0]  }
0x5: {  	s9 =	rddreg [dreg:$0x1];
	s2 =	simm.s32 $0x0  }
0x6: {  	[smem:$0x7FF] =	sst s2  }
0x7: {  	s0 =	rddreg [dreg:$0x2];
	_ =	strace $0x80000047  }
0x8: {  	s3 =	srdreg.scid  }
0x9: {  	s30 =	sshll.u32 s1, $0x1;
	s6 =	sand.u32 $0x1, s3  }
0xa: {  	s4 =	sadd.s32 $0x400, s5;
	s5 =	sadd.s32 $0x600, s5;
	s10 =	sor.u32 s6, s30  }
0xb: {  	s3 =	simm.s32 $0x2;
	s11 =	ssub.s32 $0x2, s6;
	s4 =	sadd.s32 s4, s10  }
0xc: {  	[tilespmem:s2], [sflag:$0x2] =	stream.linear.gather [hbm4b:s4+s2], $0x8, $0x38;
	[tilespmem:$0x480] =	vst v63  }
0xd: {  	s7 =	simm.s32 $0x80;
	s12 =	sshrl.u32 s11, $0x1;
	_ =	swait.ge [sflag:s3], $0x8  }
0xe: {  	s8 =	simm.s32 $0x1;
	s11 =	ssub.s32 s11, s12;
	[sflag:s3] =	ssyncset.done $0x0  }
0xf: {  	s6 =	simm.s32 $0x8;
	s31 =	smax.u32 s11, $0x1;
	[sflag:s3] =	ssyncadd.s32 $0xFFFFFFF8  }
0x10: {  	[tilespmem:s7], [sflag:$0x1] =	stream.indirect.gather [hbm4b:s5+s6], $0x80, s2, s6, $0xb8;
	[tilespmem:$0x480] =	vst v63  }
0x11: {  	p0 =	sne.s32 s31, $0x1;
	_ =	swait.ge [sflag:s8], $0x400  }
.Ltmp1:
0x12: {  	s10 =	sshll.u32 s10, $0x7;
	[sflag:s8] =	ssyncset.done $0x0;
	(pc) =	sbr.rel @!p0 .LBB2_3-.Ltmp1, $4  }
0x13: {  	s9 =	sadd.s32 s9, s10;
	[sflag:s8] =	ssyncadd.s32 $0xFFFFFC00  }
0x14: {  	[hbm4b:s9+s2] =	stream.linear.scatter [tilespmem:s7], [sflag:$0x2], $0x400, $0x38;
	[tilespmem:$0x480] =	vst v63  }
0x15: {  	_ =	swait.ge [sflag:s3], $0x400  }
0x16: {  	s10 =	sadd.s32 $0xFFFFFFFF, s31;
	[sflag:s3] =	ssyncset.done $0x0  }
.LBB2_2:
0x17: {  	p0 =	sne.s32 s10, $0x1;
	s10 =	sadd.s32 $0xFFFFFFFF, s10;
	[sflag:s3] =	ssyncadd.s32 $0xFFFFFC00  }
0x18: {  	[tilespmem:s2], [sflag:$0x2] =	stream.linear.gather [hbm4b:s4+s2], $0x8, $0x38;
	[tilespmem:$0x480] =	vst v63  }
0x19: {  	_ =	swait.ge [sflag:s3], $0x8  }
0x1a: {  	[sflag:s3] =	ssyncset.done $0x0  }
0x1b: {  	[sflag:s3] =	ssyncadd.s32 $0xFFFFFFF8  }
0x1c: {  	[tilespmem:s7], [sflag:$0x1] =	stream.indirect.gather [hbm4b:s5+s6], $0x80, s2, s6, $0xb8;
	[tilespmem:$0x480] =	vst v63  }
0x1d: {  	_ =	swait.ge [sflag:s8], $0x400  }
.Ltmp2:
0x1e: {  	[sflag:s8] =	ssyncset.done $0x0;
	(pc) =	sbr.rel @p0 .LBB2_2-.Ltmp2, $4  }
0x1f: {  	[sflag:s8] =	ssyncadd.s32 $0xFFFFFC00  }
0x20: {  	[hbm4b:s9+s2] =	stream.linear.scatter [tilespmem:s7], [sflag:$0x2], $0x400, $0x38;
	[tilespmem:$0x480] =	vst v63  }
0x21: {  	_ =	swait.ge [sflag:s3], $0x400  }
0x22: {  	[sflag:s3] =	ssyncset.done $0x0  }
.LBB2_3:
0x23: {  	[sflag:s3] =	ssyncadd.s32 $0xFFFFFC00  }
.LBB2_4:
0x24: {  	_ =	sfence.sel $0x180000  }
0x25: {  	[bflag:$0x0] =	sbarrier.arrive $0xFFFF  }
0x26: {  	p0 =	sne.s32 s1, $0x0;
	_ =	strace $0x90000047  }
0x27: {  	s0 =	sadd.s32 @!p0 $0x100000, s0;
	[bflag:$0x2] =	sbarrier.arrive $0xFFFF  }
0x28: {  	[sflag:s0] =	ssyncadd.tile.s32 @!p0 $0x1;
	_ =	shalt  }
.Lfunc_end2:
_tile_overlayer_lowered:
.L_overlay_start_2:
0x29: {  	(tag) =	ssettag $0x2  }
0x2a: {  	s0 =	rddreg [dreg:$0x0];
	s2 =	stileid.u32  }
0x2b: {  	s1 =	rddreg [dreg:$0x1];
	p0 =	sne.s32 s2, $0x0  }
0x2c: {  	s3 =	rddreg [dreg:$0x2];
	[bflag:$0x3] =	sbarrier.arrive $0xFFFF;
	s2 =	simm.s32 @!p0 $0x1C02  }
0x2d: {  	[timem:s3], [sflag:s2] =	dma.local @!p0 [hbm:s0], s1  }
0x2e: {  	s0 =	simm.s32 @!p0 $0x2  }
0x2f: {  	_ =	swait.ge @!p0 [sflag:s0], s1  }
0x30: {  	s1 =	ssub.s32 @!p0 $0x0, s1;
	[sflag:s0] =	ssyncset.done @!p0 $0x0  }
0x31: {  	[sflag:s0] =	ssyncadd.s32 @!p0 s1  }
0x32: {  	[bflag:$0x3] =	sbarrier.arrive $0xFFFF  }
0x33: {  	_ =	shalt  }

</sc_bundles>
